<compile_context>
chip_gen: v7x
topology: tpu7x:2x2x1
jax: 0.10.2.dev20260603
libtpu: 0.0.44.dev20260713+nightly
codegen_flags: <defaults>
</compile_context>

<pallas_src>
import functools

import jax
import jax.numpy as jnp
from jax import lax
from jax.experimental import pallas as pl
from jax.experimental.pallas import tpu as pltpu
from jax.experimental.pallas import tpu_sc as plsc

LANES = 16
CHUNK = 16


def _build_sc_call(B, L, E):
    RIN = L * E
    ROUT = (2 * L + 1) * E
    info = plsc.get_sparse_core_info()
    NC, NS = info.num_cores, info.num_subcores
    NW = NC * NS
    NCHUNK = RIN // CHUNK
    assert RIN % CHUNK == 0 and NCHUNK % NW == 0 and E % LANES == 0
    CPW = NCHUNK // NW
    NVC = B // LANES

    def body(x1_hbm, x2_hbm, pat_hbm, out_hbm,
             ia, ib, oa, ob, pat,
             sina, sinb, souta, soutb):
        wid = lax.axis_index("s") * NC + lax.axis_index("c")
        ibuf = (ia, ib)
        obuf = (oa, ob)
        sin = (sina, sinb)
        sout = (souta, soutb)
        srcs = (x1_hbm, x2_hbm)
        outoff = (E, E + RIN)
        patbase = (0, E * LANES)

        pltpu.sync_copy(pat_hbm, pat)

        def rs_of(c):
            return (wid * CPW + c) * CHUNK

        def issue_in(c, p):
            pltpu.async_copy(srcs[p].at[pl.ds(rs_of(c), CHUNK)],
                             ibuf[p], sin[p])

        def wait_in(p):
            pltpu.make_async_copy(srcs[p].at[pl.ds(0, CHUNK)],
                                  ibuf[p], sin[p]).wait()

        def issue_out(c, p):
            pltpu.async_copy(obuf[p],
                             out_hbm.at[pl.ds(outoff[p] + rs_of(c), CHUNK)],
                             sout[p])

        def wait_out(p):
            pltpu.make_async_copy(obuf[p],
                                  out_hbm.at[pl.ds(0, CHUNK)],
                                  sout[p]).wait()

        def compute(c, p):
            r, w = ibuf[p], obuf[p]
            pb = patbase[p] + (rs_of(c) & (E - 1)) * LANES
            splats = [pat[pl.ds(pb + j * LANES, LANES)] for j in range(CHUNK)]

            @plsc.parallel_loop(0, NVC, step=1, unroll=1)
            def _(v):
                s = pl.ds(v * LANES, LANES)
                for j in range(CHUNK):
                    w[j, s] = r[j, s] + splats[j]

        issue_in(0, 0)
        issue_in(0, 1)

        def loop_body(c, carry):
            for p in range(2):
                wait_in(p)

                @pl.when(c > 0)
                def _():
                    wait_out(p)

                compute(c, p)
                issue_out(c, p)

                @pl.when(c < CPW - 1)
                def _():
                    issue_in(c + 1, p)
            return carry

        lax.fori_loop(0, CPW, loop_body, 0)
        wait_out(0)
        wait_out(1)

        @pl.when(wid < E // CHUNK)
        def _():
            base = wid * CHUNK

            @plsc.parallel_loop(0, NVC, step=1, unroll=1)
            def _(v):
                s = pl.ds(v * LANES, LANES)
                for j in range(CHUNK):
                    oa[j, s] = pat[pl.ds((2 * E + base + j) * LANES, LANES)]

            pltpu.sync_copy(oa, out_hbm.at[pl.ds(base, CHUNK)])

    mesh = plsc.VectorSubcoreMesh(core_axis_name="c", subcore_axis_name="s")
    return pl.kernel(
        body,
        mesh=mesh,
        out_type=jax.ShapeDtypeStruct((ROUT, B), jnp.float32),
        scratch_types=[
            pltpu.VMEM((CHUNK, B), jnp.float32),
            pltpu.VMEM((CHUNK, B), jnp.float32),
            pltpu.VMEM((CHUNK, B), jnp.float32),
            pltpu.VMEM((CHUNK, B), jnp.float32),
            pltpu.VMEM((3 * E * LANES,), jnp.float32),
            pltpu.SemaphoreType.DMA,
            pltpu.SemaphoreType.DMA,
            pltpu.SemaphoreType.DMA,
            pltpu.SemaphoreType.DMA,
        ],
    )


def kernel(x1, x2, cls_token, type_embeddings):
    B, L, E = x1.shape
    call = _build_sc_call(B, L, E)
    x1v = x1.transpose(1, 2, 0).reshape(L * E, B)
    x2v = x2.transpose(1, 2, 0).reshape(L * E, B)
    scal = jnp.concatenate(
        [type_embeddings.reshape(2 * E), cls_token.reshape(E)])
    pat = jnp.repeat(scal, LANES)
    outv = call(x1v, x2v, pat)
    return outv.reshape(2 * L + 1, E, B).transpose(2, 0, 1)

# --- scband reference (transcript-rebuilt; emitter-appended) ---
"""Pipeline reference for scband-model-with-cls-token-49014166782212 (READ-ONLY COPY).

The authoritative reference and input builder live on the scoring server;
editing this copy changes nothing except your own understanding.
"""

import jax, jax.numpy as jnp
import numpy as np

EMBED_DIM = 64
TYPE_VOCAB = 2
B = 1024
L = 200

def setup_inputs(seed: int = 0) -> dict:
    key = jax.random.key(seed)
    k1, k2, k3 = jax.random.split(key, 3)
    x1 = jax.random.normal(k1, (B, L, EMBED_DIM), dtype=jnp.float32)
    x2 = jax.random.normal(k2, (B, L, EMBED_DIM), dtype=jnp.float32)
    cls_token = jnp.ones((1, 1, EMBED_DIM), dtype=jnp.float32) * 0.01
    type_embeddings = jax.random.normal(k3, (TYPE_VOCAB, EMBED_DIM), dtype=jnp.float32)
    return {"x1": x1, "x2": x2, "cls_token": cls_token, "type_embeddings": type_embeddings}

def reference(x1, x2, cls_token, type_embeddings):
    batch_size = x1.shape[0]
    cls_tokens = jnp.broadcast_to(cls_token, (batch_size, 1, cls_token.shape[2]))
    type1_idx = jnp.zeros((x1.shape[0],), dtype=jnp.int32)
    type2_idx = jnp.ones((x2.shape[0],), dtype=jnp.int32)
    type1_embedding = jnp.take(type_embeddings, type1_idx, axis=0)
    type2_embedding = jnp.take(type_embeddings, type2_idx, axis=0)
    x1_with_type = x1 + type1_embedding[:, None, :]
    x2_with_type = x2 + type2_embedding[:, None, :]
    concatenated = jnp.concatenate((x1_with_type, x2_with_type), axis=1)
    concatenated = jnp.concatenate((cls_tokens, concatenated), axis=1)
    return concatenated

if __name__ == "__main__":
    import jax
    _d = setup_inputs()
    print(jax.jit(kernel)(*tuple(_d.values())))

</pallas_src>

<mosaic_0001>
#map = affine_map<(d0, d1) -> (0, 0)>
#map1 = affine_map<(d0, d1) -> (0)>
module attributes {stable_mosaic.version = 14 : i64} {
  func.func @body(%arg0: i32, %arg1: i32, %arg2: memref<12800x1024xf32, #tpu.memory_space<hbm>>, %arg3: memref<12800x1024xf32, #tpu.memory_space<hbm>>, %arg4: memref<3072xf32, #tpu.memory_space<hbm>>, %arg5: memref<25664x1024xf32, #tpu.memory_space<hbm>>, %arg6: memref<16x1024xf32, #tpu.memory_space<vmem>>, %arg7: memref<16x1024xf32, #tpu.memory_space<vmem>>, %arg8: memref<16x1024xf32, #tpu.memory_space<vmem>>, %arg9: memref<16x1024xf32, #tpu.memory_space<vmem>>, %arg10: memref<3072xf32, #tpu.memory_space<vmem>>, %arg11: memref<!tpu.dma_semaphore, #tpu.memory_space<semaphore_mem>>, %arg12: memref<!tpu.dma_semaphore, #tpu.memory_space<semaphore_mem>>, %arg13: memref<!tpu.dma_semaphore, #tpu.memory_space<semaphore_mem>>, %arg14: memref<!tpu.dma_semaphore, #tpu.memory_space<semaphore_mem>>) attributes {dimension_semantics = [#tpu.dimension_semantics<core_parallel>, #tpu.dimension_semantics<subcore_parallel>], iteration_bounds = array<i64: 2, 16>, scalar_prefetch = 0 : i64, scratch_operands = 9 : i64, tpu.core_type = #tpu.core_type<sc_vector_subcore>, window_params = [{transform_indices = #map}, {transform_indices = #map}, {transform_indices = #map1}, {transform_indices = #map}]} {
    %mul3A = arith.constant 2 : i32
    %mul3A_0 = arith.muli %arg1, %mul3A : i32
    %add3A = arith.addi %mul3A_0, %arg0 : i32
    "tpu.region"() ({
      %run_scoped3A = tpu.sem_alloc : memref<!tpu.dma_semaphore, #tpu.memory_space<semaphore_mem>>
      tpu.enqueue_dma source(%arg4 : memref<3072xf32, #tpu.memory_space<hbm>>) target(%arg10 : memref<3072xf32, #tpu.memory_space<vmem>>) target_semaphore(%run_scoped3A : memref<!tpu.dma_semaphore, #tpu.memory_space<semaphore_mem>>)
      tpu.wait_dma2 semaphore(%run_scoped3A : memref<!tpu.dma_semaphore, #tpu.memory_space<semaphore_mem>>) src(%arg4 : memref<3072xf32, #tpu.memory_space<hbm>>) dst(%arg10 : memref<3072xf32, #tpu.memory_space<vmem>>)
      tpu.yield
    }) : () -> ()
    %mul3A_1 = arith.constant 25 : i32
    %mul3A_2 = arith.muli %add3A, %mul3A_1 : i32
    %add3A_3 = arith.constant 0 : i32
    %add3A_4 = arith.addi %mul3A_2, %add3A_3 : i32
    %mul3A_5 = arith.constant 16 : i32
    %mul3A_6 = arith.muli %add3A_4, %mul3A_5 : i32
    %dma_start3A = arith.constant 0 : i32
    %dma_start3A_7 = tpu.memref_slice %arg2[%mul3A_6, %dma_start3A] : memref<12800x1024xf32, #tpu.memory_space<hbm>> -> memref<16x1024xf32, #tpu.memory_space<hbm>>
    %dma_start3A_8 = arith.constant 0 : i32
    %dma_start3A_9 = tpu.memref_slice %arg2[%mul3A_6, %dma_start3A_8] : memref<12800x1024xf32, #tpu.memory_space<hbm>> -> memref<16x1024xf32, #tpu.memory_space<hbm>>
    tpu.enqueue_dma source(%dma_start3A_9 : memref<16x1024xf32, #tpu.memory_space<hbm>>) target(%arg6 : memref<16x1024xf32, #tpu.memory_space<vmem>>) target_semaphore(%arg11 : memref<!tpu.dma_semaphore, #tpu.memory_space<semaphore_mem>>)
    %mul3A_10 = arith.constant 25 : i32
    %mul3A_11 = arith.muli %add3A, %mul3A_10 : i32
    %add3A_12 = arith.constant 0 : i32
    %add3A_13 = arith.addi %mul3A_11, %add3A_12 : i32
    %mul3A_14 = arith.constant 16 : i32
    %mul3A_15 = arith.muli %add3A_13, %mul3A_14 : i32
    %dma_start3A_16 = arith.constant 0 : i32
    %dma_start3A_17 = tpu.memref_slice %arg3[%mul3A_15, %dma_start3A_16] : memref<12800x1024xf32, #tpu.memory_space<hbm>> -> memref<16x1024xf32, #tpu.memory_space<hbm>>
    %dma_start3A_18 = arith.constant 0 : i32
    %dma_start3A_19 = tpu.memref_slice %arg3[%mul3A_15, %dma_start3A_18] : memref<12800x1024xf32, #tpu.memory_space<hbm>> -> memref<16x1024xf32, #tpu.memory_space<hbm>>
    tpu.enqueue_dma source(%dma_start3A_19 : memref<16x1024xf32, #tpu.memory_space<hbm>>) target(%arg7 : memref<16x1024xf32, #tpu.memory_space<vmem>>) target_semaphore(%arg12 : memref<!tpu.dma_semaphore, #tpu.memory_space<semaphore_mem>>)
    %scan3A = arith.constant 0 : i32
    %scan3A_20 = arith.constant 0 : i32
    %scan3A_21 = arith.constant 25 : i32
    %scan3A_22 = arith.addi %scan3A_20, %scan3A_21 : i32
    %scan3A_23 = arith.constant 1 : i32
    scf.for %scan3A_38 = %scan3A_20 to %scan3A_22 step %scan3A_23  : i32 {
      %dma_wait3A_39 = arith.constant 0 : i32
      %dma_wait3A_40 = arith.constant 0 : i32
      %dma_wait3A_41 = tpu.memref_slice %arg2[%dma_wait3A_39, %dma_wait3A_40] : memref<12800x1024xf32, #tpu.memory_space<hbm>> -> memref<16x1024xf32, #tpu.memory_space<hbm>>
      %dma_wait3A_42 = arith.constant 0 : i32
      %dma_wait3A_43 = arith.constant 0 : i32
      %dma_wait3A_44 = tpu.memref_slice %arg2[%dma_wait3A_42, %dma_wait3A_43] : memref<12800x1024xf32, #tpu.memory_space<hbm>> -> memref<16x1024xf32, #tpu.memory_space<hbm>>
      tpu.wait_dma2 semaphore(%arg11 : memref<!tpu.dma_semaphore, #tpu.memory_space<semaphore_mem>>) src(%dma_wait3A_44 : memref<16x1024xf32, #tpu.memory_space<hbm>>) dst(%arg6 : memref<16x1024xf32, #tpu.memory_space<vmem>>)
      %gt3A = arith.constant 0 : i32
      %gt3A_45 = arith.cmpi sgt, %scan3A_38, %gt3A : i32
      %convert_element_type3A_46 = arith.extui %gt3A_45 : i1 to i32
      %cond3A_47 = arith.constant 0 : i32
      %cond3A_48 = arith.cmpi ne, %convert_element_type3A_46, %cond3A_47 : i32
      scf.if %cond3A_48 {
        %dma_wait3A_277 = arith.constant 0 : i32
        %dma_wait3A_278 = arith.constant 0 : i32
        %dma_wait3A_279 = tpu.memref_slice %arg5[%dma_wait3A_277, %dma_wait3A_278] : memref<25664x1024xf32, #tpu.memory_space<hbm>> -> memref<16x1024xf32, #tpu.memory_space<hbm>>
        %dma_wait3A_280 = arith.constant 0 : i32
        %dma_wait3A_281 = arith.constant 0 : i32
        %dma_wait3A_282 = tpu.memref_slice %arg5[%dma_wait3A_280, %dma_wait3A_281] : memref<25664x1024xf32, #tpu.memory_space<hbm>> -> memref<16x1024xf32, #tpu.memory_space<hbm>>
        tpu.wait_dma2 semaphore(%arg13 : memref<!tpu.dma_semaphore, #tpu.memory_space<semaphore_mem>>) src(%arg8 : memref<16x1024xf32, #tpu.memory_space<vmem>>) dst(%dma_wait3A_282 : memref<16x1024xf32, #tpu.memory_space<hbm>>)
      } else {
      }
      %mul3A_49 = arith.constant 25 : i32
      %mul3A_50 = arith.muli %add3A, %mul3A_49 : i32
      %add3A_51 = arith.addi %mul3A_50, %scan3A_38 : i32
      %mul3A_52 = arith.constant 16 : i32
      %mul3A_53 = arith.muli %add3A_51, %mul3A_52 : i32
      %and3A = arith.constant 63 : i32
      %and3A_54 = arith.andi %mul3A_53, %and3A : i32
      %mul3A_55 = arith.constant 16 : i32
      %mul3A_56 = arith.muli %and3A_54, %mul3A_55 : i32
      %add3A_57 = arith.constant 0 : i32
      %add3A_58 = arith.addi %add3A_57, %mul3A_56 : i32
      %add3A_59 = arith.constant 0 : i32
      %add3A_60 = arith.addi %add3A_58, %add3A_59 : i32
      %get3A = arith.index_cast %add3A_60 : i32 to index
      %get3A_61 = tpu.vector_load %arg10[%get3A] {strides = array<i32>} : memref<3072xf32, #tpu.memory_space<vmem>>, vector<16xf32>,
      %get3A_62 = vector.shape_cast %get3A_61 : vector<16xf32> to vector<16xf32>
      %add3A_63 = arith.constant 16 : i32
      %add3A_64 = arith.addi %add3A_58, %add3A_63 : i32
      %get3A_65 = arith.index_cast %add3A_64 : i32 to index
      %get3A_66 = tpu.vector_load %arg10[%get3A_65] {strides = array<i32>} : memref<3072xf32, #tpu.memory_space<vmem>>, vector<16xf32>,
      %get3A_67 = vector.shape_cast %get3A_66 : vector<16xf32> to vector<16xf32>
      %add3A_68 = arith.constant 32 : i32
      %add3A_69 = arith.addi %add3A_58, %add3A_68 : i32
      %get3A_70 = arith.index_cast %add3A_69 : i32 to index
      %get3A_71 = tpu.vector_load %arg10[%get3A_70] {strides = array<i32>} : memref<3072xf32, #tpu.memory_space<vmem>>, vector<16xf32>,
      %get3A_72 = vector.shape_cast %get3A_71 : vector<16xf32> to vector<16xf32>
      %add3A_73 = arith.constant 48 : i32
      %add3A_74 = arith.addi %add3A_58, %add3A_73 : i32
      %get3A_75 = arith.index_cast %add3A_74 : i32 to index
      %get3A_76 = tpu.vector_load %arg10[%get3A_75] {strides = array<i32>} : memref<3072xf32, #tpu.memory_space<vmem>>, vector<16xf32>,
      %get3A_77 = vector.shape_cast %get3A_76 : vector<16xf32> to vector<16xf32>
      %add3A_78 = arith.constant 64 : i32
      %add3A_79 = arith.addi %add3A_58, %add3A_78 : i32
      %get3A_80 = arith.index_cast %add3A_79 : i32 to index
      %get3A_81 = tpu.vector_load %arg10[%get3A_80] {strides = array<i32>} : memref<3072xf32, #tpu.memory_space<vmem>>, vector<16xf32>,
      %get3A_82 = vector.shape_cast %get3A_81 : vector<16xf32> to vector<16xf32>
      %add3A_83 = arith.constant 80 : i32
      %add3A_84 = arith.addi %add3A_58, %add3A_83 : i32
      %get3A_85 = arith.index_cast %add3A_84 : i32 to index
      %get3A_86 = tpu.vector_load %arg10[%get3A_85] {strides = array<i32>} : memref<3072xf32, #tpu.memory_space<vmem>>, vector<16xf32>,
      %get3A_87 = vector.shape_cast %get3A_86 : vector<16xf32> to vector<16xf32>
      %add3A_88 = arith.constant 96 : i32
      %add3A_89 = arith.addi %add3A_58, %add3A_88 : i32
      %get3A_90 = arith.index_cast %add3A_89 : i32 to index
      %get3A_91 = tpu.vector_load %arg10[%get3A_90] {strides = array<i32>} : memref<3072xf32, #tpu.memory_space<vmem>>, vector<16xf32>,
      %get3A_92 = vector.shape_cast %get3A_91 : vector<16xf32> to vector<16xf32>
      %add3A_93 = arith.constant 112 : i32
      %add3A_94 = arith.addi %add3A_58, %add3A_93 : i32
      %get3A_95 = arith.index_cast %add3A_94 : i32 to index
      %get3A_96 = tpu.vector_load %arg10[%get3A_95] {strides = array<i32>} : memref<3072xf32, #tpu.memory_space<vmem>>, vector<16xf32>,
      %get3A_97 = vector.shape_cast %get3A_96 : vector<16xf32> to vector<16xf32>
      %add3A_98 = arith.constant 128 : i32
      %add3A_99 = arith.addi %add3A_58, %add3A_98 : i32
      %get3A_100 = arith.index_cast %add3A_99 : i32 to index
      %get3A_101 = tpu.vector_load %arg10[%get3A_100] {strides = array<i32>} : memref<3072xf32, #tpu.memory_space<vmem>>, vector<16xf32>,
      %get3A_102 = vector.shape_cast %get3A_101 : vector<16xf32> to vector<16xf32>
      %add3A_103 = arith.constant 144 : i32
      %add3A_104 = arith.addi %add3A_58, %add3A_103 : i32
      %get3A_105 = arith.index_cast %add3A_104 : i32 to index
      %get3A_106 = tpu.vector_load %arg10[%get3A_105] {strides = array<i32>} : memref<3072xf32, #tpu.memory_space<vmem>>, vector<16xf32>,
      %get3A_107 = vector.shape_cast %get3A_106 : vector<16xf32> to vector<16xf32>
      %add3A_108 = arith.constant 160 : i32
      %add3A_109 = arith.addi %add3A_58, %add3A_108 : i32
      %get3A_110 = arith.index_cast %add3A_109 : i32 to index
      %get3A_111 = tpu.vector_load %arg10[%get3A_110] {strides = array<i32>} : memref<3072xf32, #tpu.memory_space<vmem>>, vector<16xf32>,
      %get3A_112 = vector.shape_cast %get3A_111 : vector<16xf32> to vector<16xf32>
      %add3A_113 = arith.constant 176 : i32
      %add3A_114 = arith.addi %add3A_58, %add3A_113 : i32
      %get3A_115 = arith.index_cast %add3A_114 : i32 to index
      %get3A_116 = tpu.vector_load %arg10[%get3A_115] {strides = array<i32>} : memref<3072xf32, #tpu.memory_space<vmem>>, vector<16xf32>,
      %get3A_117 = vector.shape_cast %get3A_116 : vector<16xf32> to vector<16xf32>
      %add3A_118 = arith.constant 192 : i32
      %add3A_119 = arith.addi %add3A_58, %add3A_118 : i32
      %get3A_120 = arith.index_cast %add3A_119 : i32 to index
      %get3A_121 = tpu.vector_load %arg10[%get3A_120] {strides = array<i32>} : memref<3072xf32, #tpu.memory_space<vmem>>, vector<16xf32>,
      %get3A_122 = vector.shape_cast %get3A_121 : vector<16xf32> to vector<16xf32>
      %add3A_123 = arith.constant 208 : i32
      %add3A_124 = arith.addi %add3A_58, %add3A_123 : i32
      %get3A_125 = arith.index_cast %add3A_124 : i32 to index
      %get3A_126 = tpu.vector_load %arg10[%get3A_125] {strides = array<i32>} : memref<3072xf32, #tpu.memory_space<vmem>>, vector<16xf32>,
      %get3A_127 = vector.shape_cast %get3A_126 : vector<16xf32> to vector<16xf32>
      %add3A_128 = arith.constant 224 : i32
      %add3A_129 = arith.addi %add3A_58, %add3A_128 : i32
      %get3A_130 = arith.index_cast %add3A_129 : i32 to index
      %get3A_131 = tpu.vector_load %arg10[%get3A_130] {strides = array<i32>} : memref<3072xf32, #tpu.memory_space<vmem>>, vector<16xf32>,
      %get3A_132 = vector.shape_cast %get3A_131 : vector<16xf32> to vector<16xf32>
      %add3A_133 = arith.constant 240 : i32
      %add3A_134 = arith.addi %add3A_58, %add3A_133 : i32
      %get3A_135 = arith.index_cast %add3A_134 : i32 to index
      %get3A_136 = tpu.vector_load %arg10[%get3A_135] {strides = array<i32>} : memref<3072xf32, #tpu.memory_space<vmem>>, vector<16xf32>,
      %get3A_137 = vector.shape_cast %get3A_136 : vector<16xf32> to vector<16xf32>
      %parallel_loop3A = arith.constant 0 : i32
      %parallel_loop3A_138 = arith.constant 64 : i32
      %parallel_loop3A_139 = arith.constant 1 : i32
      scf.for %parallel_loop3A_277 = %parallel_loop3A to %parallel_loop3A_138 step %parallel_loop3A_139  : i32 {
        %parallel_loop3A_278 = arith.constant 16 : i32
        %parallel_loop3A_279 = arith.muli %parallel_loop3A_277, %parallel_loop3A_278 : i32
        %parallel_loop3A_280 = arith.constant 0 : i32
        %parallel_loop3A_281 = arith.index_cast %parallel_loop3A_280 : i32 to index
        %parallel_loop3A_282 = arith.index_cast %parallel_loop3A_279 : i32 to index
        %parallel_loop3A_283 = tpu.vector_load %arg6[%parallel_loop3A_281, %parallel_loop3A_282] {strides = array<i32>} : memref<16x1024xf32, #tpu.memory_space<vmem>>, vector<1x16xf32>,
        %parallel_loop3A_284 = vector.shape_cast %parallel_loop3A_283 : vector<1x16xf32> to vector<16xf32>
        %parallel_loop3A_285 = arith.addf %parallel_loop3A_284, %get3A_62 : vector<16xf32>
        %parallel_loop3A_286 = arith.constant 0 : i32
        %parallel_loop3A_287 = arith.index_cast %parallel_loop3A_286 : i32 to index
        %parallel_loop3A_288 = arith.index_cast %parallel_loop3A_279 : i32 to index
        %parallel_loop3A_289 = tpu.vector_load %arg8[%parallel_loop3A_287, %parallel_loop3A_288] {strides = array<i32>} : memref<16x1024xf32, #tpu.memory_space<vmem>>, vector<1x16xf32>,
        %parallel_loop3A_290 = vector.shape_cast %parallel_loop3A_289 : vector<1x16xf32> to vector<16xf32>
        %parallel_loop3A_291 = vector.shape_cast %parallel_loop3A_285 : vector<16xf32> to vector<1x16xf32>
        tpu.vector_store %arg8[%parallel_loop3A_287, %parallel_loop3A_288], %parallel_loop3A_291 {strides = array<i32>} : memref<16x1024xf32, #tpu.memory_space<vmem>>, vector<1x16xf32>,
        %parallel_loop3A_292 = arith.constant 1 : i32
        %parallel_loop3A_293 = arith.index_cast %parallel_loop3A_292 : i32 to index
        %parallel_loop3A_294 = arith.index_cast %parallel_loop3A_279 : i32 to index
        %parallel_loop3A_295 = tpu.vector_load %arg6[%parallel_loop3A_293, %parallel_loop3A_294] {strides = array<i32>} : memref<16x1024xf32, #tpu.memory_space<vmem>>, vector<1x16xf32>,
        %parallel_loop3A_296 = vector.shape_cast %parallel_loop3A_295 : vector<1x16xf32> to vector<16xf32>
        %parallel_loop3A_297 = arith.addf %parallel_loop3A_296, %get3A_67 : vector<16xf32>
        %parallel_loop3A_298 = arith.constant 1 : i32
        %parallel_loop3A_299 = arith.index_cast %parallel_loop3A_298 : i32 to index
        %parallel_loop3A_300 = arith.index_cast %parallel_loop3A_279 : i32 to index
        %parallel_loop3A_301 = tpu.vector_load %arg8[%parallel_loop3A_299, %parallel_loop3A_300] {strides = array<i32>} : memref<16x1024xf32, #tpu.memory_space<vmem>>, vector<1x16xf32>,
        %parallel_loop3A_302 = vector.shape_cast %parallel_loop3A_301 : vector<1x16xf32> to vector<16xf32>
        %parallel_loop3A_303 = vector.shape_cast %parallel_loop3A_297 : vector<16xf32> to vector<1x16xf32>
        tpu.vector_store %arg8[%parallel_loop3A_299, %parallel_loop3A_300], %parallel_loop3A_303 {strides = array<i32>} : memref<16x1024xf32, #tpu.memory_space<vmem>>, vector<1x16xf32>,
        %parallel_loop3A_304 = arith.constant 2 : i32
        %parallel_loop3A_305 = arith.index_cast %parallel_loop3A_304 : i32 to index
        %parallel_loop3A_306 = arith.index_cast %parallel_loop3A_279 : i32 to index
        %parallel_loop3A_307 = tpu.vector_load %arg6[%parallel_loop3A_305, %parallel_loop3A_306] {strides = array<i32>} : memref<16x1024xf32, #tpu.memory_space<vmem>>, vector<1x16xf32>,
        %parallel_loop3A_308 = vector.shape_cast %parallel_loop3A_307 : vector<1x16xf32> to vector<16xf32>
        %parallel_loop3A_309 = arith.addf %parallel_loop3A_308, %get3A_72 : vector<16xf32>
        %parallel_loop3A_310 = arith.constant 2 : i32
        %parallel_loop3A_311 = arith.index_cast %parallel_loop3A_310 : i32 to index
        %parallel_loop3A_312 = arith.index_cast %parallel_loop3A_279 : i32 to index
        %parallel_loop3A_313 = tpu.vector_load %arg8[%parallel_loop3A_311, %parallel_loop3A_312] {strides = array<i32>} : memref<16x1024xf32, #tpu.memory_space<vmem>>, vector<1x16xf32>,
        %parallel_loop3A_314 = vector.shape_cast %parallel_loop3A_313 : vector<1x16xf32> to vector<16xf32>
        %parallel_loop3A_315 = vector.shape_cast %parallel_loop3A_309 : vector<16xf32> to vector<1x16xf32>
        tpu.vector_store %arg8[%parallel_loop3A_311, %parallel_loop3A_312], %parallel_loop3A_315 {strides = array<i32>} : memref<16x1024xf32, #tpu.memory_space<vmem>>, vector<1x16xf32>,
        %parallel_loop3A_316 = arith.constant 3 : i32
        %parallel_loop3A_317 = arith.index_cast %parallel_loop3A_316 : i32 to index
        %parallel_loop3A_318 = arith.index_cast %parallel_loop3A_279 : i32 to index
        %parallel_loop3A_319 = tpu.vector_load %arg6[%parallel_loop3A_317, %parallel_loop3A_318] {strides = array<i32>} : memref<16x1024xf32, #tpu.memory_space<vmem>>, vector<1x16xf32>,
        %parallel_loop3A_320 = vector.shape_cast %parallel_loop3A_319 : vector<1x16xf32> to vector<16xf32>
        %parallel_loop3A_321 = arith.addf %parallel_loop3A_320, %get3A_77 : vector<16xf32>
        %parallel_loop3A_322 = arith.constant 3 : i32
        %parallel_loop3A_323 = arith.index_cast %parallel_loop3A_322 : i32 to index
        %parallel_loop3A_324 = arith.index_cast %parallel_loop3A_279 : i32 to index
        %parallel_loop3A_325 = tpu.vector_load %arg8[%parallel_loop3A_323, %parallel_loop3A_324] {strides = array<i32>} : memref<16x1024xf32, #tpu.memory_space<vmem>>, vector<1x16xf32>,
        %parallel_loop3A_326 = vector.shape_cast %parallel_loop3A_325 : vector<1x16xf32> to vector<16xf32>
        %parallel_loop3A_327 = vector.shape_cast %parallel_loop3A_321 : vector<16xf32> to vector<1x16xf32>
        tpu.vector_store %arg8[%parallel_loop3A_323, %parallel_loop3A_324], %parallel_loop3A_327 {strides = array<i32>} : memref<16x1024xf32, #tpu.memory_space<vmem>>, vector<1x16xf32>,
        %parallel_loop3A_328 = arith.constant 4 : i32
        %parallel_loop3A_329 = arith.index_cast %parallel_loop3A_328 : i32 to index
        %parallel_loop3A_330 = arith.index_cast %parallel_loop3A_279 : i32 to index
        %parallel_loop3A_331 = tpu.vector_load %arg6[%parallel_loop3A_329, %parallel_loop3A_330] {strides = array<i32>} : memref<16x1024xf32, #tpu.memory_space<vmem>>, vector<1x16xf32>,
        %parallel_loop3A_332 = vector.shape_cast %parallel_loop3A_331 : vector<1x16xf32> to vector<16xf32>
        %parallel_loop3A_333 = arith.addf %parallel_loop3A_332, %get3A_82 : vector<16xf32>
        %parallel_loop3A_334 = arith.constant 4 : i32
        %parallel_loop3A_335 = arith.index_cast %parallel_loop3A_334 : i32 to index
        %parallel_loop3A_336 = arith.index_cast %parallel_loop3A_279 : i32 to index
        %parallel_loop3A_337 = tpu.vector_load %arg8[%parallel_loop3A_335, %parallel_loop3A_336] {strides = array<i32>} : memref<16x1024xf32, #tpu.memory_space<vmem>>, vector<1x16xf32>,
        %parallel_loop3A_338 = vector.shape_cast %parallel_loop3A_337 : vector<1x16xf32> to vector<16xf32>
        %parallel_loop3A_339 = vector.shape_cast %parallel_loop3A_333 : vector<16xf32> to vector<1x16xf32>
        tpu.vector_store %arg8[%parallel_loop3A_335, %parallel_loop3A_336], %parallel_loop3A_339 {strides = array<i32>} : memref<16x1024xf32, #tpu.memory_space<vmem>>, vector<1x16xf32>,
        %parallel_loop3A_340 = arith.constant 5 : i32
        %parallel_loop3A_341 = arith.index_cast %parallel_loop3A_340 : i32 to index
        %parallel_loop3A_342 = arith.index_cast %parallel_loop3A_279 : i32 to index
        %parallel_loop3A_343 = tpu.vector_load %arg6[%parallel_loop3A_341, %parallel_loop3A_342] {strides = array<i32>} : memref<16x1024xf32, #tpu.memory_space<vmem>>, vector<1x16xf32>,
        %parallel_loop3A_344 = vector.shape_cast %parallel_loop3A_343 : vector<1x16xf32> to vector<16xf32>
        %parallel_loop3A_345 = arith.addf %parallel_loop3A_344, %get3A_87 : vector<16xf32>
        %parallel_loop3A_346 = arith.constant 5 : i32
        %parallel_loop3A_347 = arith.index_cast %parallel_loop3A_346 : i32 to index
        %parallel_loop3A_348 = arith.index_cast %parallel_loop3A_279 : i32 to index
        %parallel_loop3A_349 = tpu.vector_load %arg8[%parallel_loop3A_347, %parallel_loop3A_348] {strides = array<i32>} : memref<16x1024xf32, #tpu.memory_space<vmem>>, vector<1x16xf32>,
        %parallel_loop3A_350 = vector.shape_cast %parallel_loop3A_349 : vector<1x16xf32> to vector<16xf32>
        %parallel_loop3A_351 = vector.shape_cast %parallel_loop3A_345 : vector<16xf32> to vector<1x16xf32>
        tpu.vector_store %arg8[%parallel_loop3A_347, %parallel_loop3A_348], %parallel_loop3A_351 {strides = array<i32>} : memref<16x1024xf32, #tpu.memory_space<vmem>>, vector<1x16xf32>,
        %parallel_loop3A_352 = arith.constant 6 : i32
        %parallel_loop3A_353 = arith.index_cast %parallel_loop3A_352 : i32 to index
        %parallel_loop3A_354 = arith.index_cast %parallel_loop3A_279 : i32 to index
        %parallel_loop3A_355 = tpu.vector_load %arg6[%parallel_loop3A_353, %parallel_loop3A_354] {strides = array<i32>} : memref<16x1024xf32, #tpu.memory_space<vmem>>, vector<1x16xf32>,
        %parallel_loop3A_356 = vector.shape_cast %parallel_loop3A_355 : vector<1x16xf32> to vector<16xf32>
        %parallel_loop3A_357 = arith.addf %parallel_loop3A_356, %get3A_92 : vector<16xf32>
        %parallel_loop3A_358 = arith.constant 6 : i32
        %parallel_loop3A_359 = arith.index_cast %parallel_loop3A_358 : i32 to index
        %parallel_loop3A_360 = arith.index_cast %parallel_loop3A_279 : i32 to index
        %parallel_loop3A_361 = tpu.vector_load %arg8[%parallel_loop3A_359, %parallel_loop3A_360] {strides = array<i32>} : memref<16x1024xf32, #tpu.memory_space<vmem>>, vector<1x16xf32>,
        %parallel_loop3A_362 = vector.shape_cast %parallel_loop3A_361 : vector<1x16xf32> to vector<16xf32>
        %parallel_loop3A_363 = vector.shape_cast %parallel_loop3A_357 : vector<16xf32> to vector<1x16xf32>
        tpu.vector_store %arg8[%parallel_loop3A_359, %parallel_loop3A_360], %parallel_loop3A_363 {strides = array<i32>} : memref<16x1024xf32, #tpu.memory_space<vmem>>, vector<1x16xf32>,
        %parallel_loop3A_364 = arith.constant 7 : i32
        %parallel_loop3A_365 = arith.index_cast %parallel_loop3A_364 : i32 to index
        %parallel_loop3A_366 = arith.index_cast %parallel_loop3A_279 : i32 to index
        %parallel_loop3A_367 = tpu.vector_load %arg6[%parallel_loop3A_365, %parallel_loop3A_366] {strides = array<i32>} : memref<16x1024xf32, #tpu.memory_space<vmem>>, vector<1x16xf32>,
        %parallel_loop3A_368 = vector.shape_cast %parallel_loop3A_367 : vector<1x16xf32> to vector<16xf32>
        %parallel_loop3A_369 = arith.addf %parallel_loop3A_368, %get3A_97 : vector<16xf32>
        %parallel_loop3A_370 = arith.constant 7 : i32
        %parallel_loop3A_371 = arith.index_cast %parallel_loop3A_370 : i32 to index
        %parallel_loop3A_372 = arith.index_cast %parallel_loop3A_279 : i32 to index
        %parallel_loop3A_373 = tpu.vector_load %arg8[%parallel_loop3A_371, %parallel_loop3A_372] {strides = array<i32>} : memref<16x1024xf32, #tpu.memory_space<vmem>>, vector<1x16xf32>,
        %parallel_loop3A_374 = vector.shape_cast %parallel_loop3A_373 : vector<1x16xf32> to vector<16xf32>
        %parallel_loop3A_375 = vector.shape_cast %parallel_loop3A_369 : vector<16xf32> to vector<1x16xf32>
        tpu.vector_store %arg8[%parallel_loop3A_371, %parallel_loop3A_372], %parallel_loop3A_375 {strides = array<i32>} : memref<16x1024xf32, #tpu.memory_space<vmem>>, vector<1x16xf32>,
        %parallel_loop3A_376 = arith.constant 8 : i32
        %parallel_loop3A_377 = arith.index_cast %parallel_loop3A_376 : i32 to index
        %parallel_loop3A_378 = arith.index_cast %parallel_loop3A_279 : i32 to index
        %parallel_loop3A_379 = tpu.vector_load %arg6[%parallel_loop3A_377, %parallel_loop3A_378] {strides = array<i32>} : memref<16x1024xf32, #tpu.memory_space<vmem>>, vector<1x16xf32>,
        %parallel_loop3A_380 = vector.shape_cast %parallel_loop3A_379 : vector<1x16xf32> to vector<16xf32>
        %parallel_loop3A_381 = arith.addf %parallel_loop3A_380, %get3A_102 : vector<16xf32>
        %parallel_loop3A_382 = arith.constant 8 : i32
        %parallel_loop3A_383 = arith.index_cast %parallel_loop3A_382 : i32 to index
        %parallel_loop3A_384 = arith.index_cast %parallel_loop3A_279 : i32 to index
        %parallel_loop3A_385 = tpu.vector_load %arg8[%parallel_loop3A_383, %parallel_loop3A_384] {strides = array<i32>} : memref<16x1024xf32, #tpu.memory_space<vmem>>, vector<1x16xf32>,
        %parallel_loop3A_386 = vector.shape_cast %parallel_loop3A_385 : vector<1x16xf32> to vector<16xf32>
        %parallel_loop3A_387 = vector.shape_cast %parallel_loop3A_381 : vector<16xf32> to vector<1x16xf32>
        tpu.vector_store %arg8[%parallel_loop3A_383, %parallel_loop3A_384], %parallel_loop3A_387 {strides = array<i32>} : memref<16x1024xf32, #tpu.memory_space<vmem>>, vector<1x16xf32>,
        %parallel_loop3A_388 = arith.constant 9 : i32
        %parallel_loop3A_389 = arith.index_cast %parallel_loop3A_388 : i32 to index
        %parallel_loop3A_390 = arith.index_cast %parallel_loop3A_279 : i32 to index
        %parallel_loop3A_391 = tpu.vector_load %arg6[%parallel_loop3A_389, %parallel_loop3A_390] {strides = array<i32>} : memref<16x1024xf32, #tpu.memory_space<vmem>>, vector<1x16xf32>,
        %parallel_loop3A_392 = vector.shape_cast %parallel_loop3A_391 : vector<1x16xf32> to vector<16xf32>
        %parallel_loop3A_393 = arith.addf %parallel_loop3A_392, %get3A_107 : vector<16xf32>
        %parallel_loop3A_394 = arith.constant 9 : i32
        %parallel_loop3A_395 = arith.index_cast %parallel_loop3A_394 : i32 to index
        %parallel_loop3A_396 = arith.index_cast %parallel_loop3A_279 : i32 to index
        %parallel_loop3A_397 = tpu.vector_load %arg8[%parallel_loop3A_395, %parallel_loop3A_396] {strides = array<i32>} : memref<16x1024xf32, #tpu.memory_space<vmem>>, vector<1x16xf32>,
        %parallel_loop3A_398 = vector.shape_cast %parallel_loop3A_397 : vector<1x16xf32> to vector<16xf32>
        %parallel_loop3A_399 = vector.shape_cast %parallel_loop3A_393 : vector<16xf32> to vector<1x16xf32>
        tpu.vector_store %arg8[%parallel_loop3A_395, %parallel_loop3A_396], %parallel_loop3A_399 {strides = array<i32>} : memref<16x1024xf32, #tpu.memory_space<vmem>>, vector<1x16xf32>,
        %parallel_loop3A_400 = arith.constant 10 : i32
        %parallel_loop3A_401 = arith.index_cast %parallel_loop3A_400 : i32 to index
        %parallel_loop3A_402 = arith.index_cast %parallel_loop3A_279 : i32 to index
        %parallel_loop3A_403 = tpu.vector_load %arg6[%parallel_loop3A_401, %parallel_loop3A_402] {strides = array<i32>} : memref<16x1024xf32, #tpu.memory_space<vmem>>, vector<1x16xf32>,
        %parallel_loop3A_404 = vector.shape_cast %parallel_loop3A_403 : vector<1x16xf32> to vector<16xf32>
        %parallel_loop3A_405 = arith.addf %parallel_loop3A_404, %get3A_112 : vector<16xf32>
        %parallel_loop3A_406 = arith.constant 10 : i32
        %parallel_loop3A_407 = arith.index_cast %parallel_loop3A_406 : i32 to index
        %parallel_loop3A_408 = arith.index_cast %parallel_loop3A_279 : i32 to index
        %parallel_loop3A_409 = tpu.vector_load %arg8[%parallel_loop3A_407, %parallel_loop3A_408] {strides = array<i32>} : memref<16x1024xf32, #tpu.memory_space<vmem>>, vector<1x16xf32>,
        %parallel_loop3A_410 = vector.shape_cast %parallel_loop3A_409 : vector<1x16xf32> to vector<16xf32>
        %parallel_loop3A_411 = vector.shape_cast %parallel_loop3A_405 : vector<16xf32> to vector<1x16xf32>
        tpu.vector_store %arg8[%parallel_loop3A_407, %parallel_loop3A_408], %parallel_loop3A_411 {strides = array<i32>} : memref<16x1024xf32, #tpu.memory_space<vmem>>, vector<1x16xf32>,
        %parallel_loop3A_412 = arith.constant 11 : i32
        %parallel_loop3A_413 = arith.index_cast %parallel_loop3A_412 : i32 to index
        %parallel_loop3A_414 = arith.index_cast %parallel_loop3A_279 : i32 to index
        %parallel_loop3A_415 = tpu.vector_load %arg6[%parallel_loop3A_413, %parallel_loop3A_414] {strides = array<i32>} : memref<16x1024xf32, #tpu.memory_space<vmem>>, vector<1x16xf32>,
        %parallel_loop3A_416 = vector.shape_cast %parallel_loop3A_415 : vector<1x16xf32> to vector<16xf32>
        %parallel_loop3A_417 = arith.addf %parallel_loop3A_416, %get3A_117 : vector<16xf32>
        %parallel_loop3A_418 = arith.constant 11 : i32
        %parallel_loop3A_419 = arith.index_cast %parallel_loop3A_418 : i32 to index
        %parallel_loop3A_420 = arith.index_cast %parallel_loop3A_279 : i32 to index
        %parallel_loop3A_421 = tpu.vector_load %arg8[%parallel_loop3A_419, %parallel_loop3A_420] {strides = array<i32>} : memref<16x1024xf32, #tpu.memory_space<vmem>>, vector<1x16xf32>,
        %parallel_loop3A_422 = vector.shape_cast %parallel_loop3A_421 : vector<1x16xf32> to vector<16xf32>
        %parallel_loop3A_423 = vector.shape_cast %parallel_loop3A_417 : vector<16xf32> to vector<1x16xf32>
        tpu.vector_store %arg8[%parallel_loop3A_419, %parallel_loop3A_420], %parallel_loop3A_423 {strides = array<i32>} : memref<16x1024xf32, #tpu.memory_space<vmem>>, vector<1x16xf32>,
        %parallel_loop3A_424 = arith.constant 12 : i32
        %parallel_loop3A_425 = arith.index_cast %parallel_loop3A_424 : i32 to index
        %parallel_loop3A_426 = arith.index_cast %parallel_loop3A_279 : i32 to index
        %parallel_loop3A_427 = tpu.vector_load %arg6[%parallel_loop3A_425, %parallel_loop3A_426] {strides = array<i32>} : memref<16x1024xf32, #tpu.memory_space<vmem>>, vector<1x16xf32>,
        %parallel_loop3A_428 = vector.shape_cast %parallel_loop3A_427 : vector<1x16xf32> to vector<16xf32>
        %parallel_loop3A_429 = arith.addf %parallel_loop3A_428, %get3A_122 : vector<16xf32>
        %parallel_loop3A_430 = arith.constant 12 : i32
        %parallel_loop3A_431 = arith.index_cast %parallel_loop3A_430 : i32 to index
        %parallel_loop3A_432 = arith.index_cast %parallel_loop3A_279 : i32 to index
        %parallel_loop3A_433 = tpu.vector_load %arg8[%parallel_loop3A_431, %parallel_loop3A_432] {strides = array<i32>} : memref<16x1024xf32, #tpu.memory_space<vmem>>, vector<1x16xf32>,
        %parallel_loop3A_434 = vector.shape_cast %parallel_loop3A_433 : vector<1x16xf32> to vector<16xf32>
        %parallel_loop3A_435 = vector.shape_cast %parallel_loop3A_429 : vector<16xf32> to vector<1x16xf32>
        tpu.vector_store %arg8[%parallel_loop3A_431, %parallel_loop3A_432], %parallel_loop3A_435 {strides = array<i32>} : memref<16x1024xf32, #tpu.memory_space<vmem>>, vector<1x16xf32>,
        %parallel_loop3A_436 = arith.constant 13 : i32
        %parallel_loop3A_437 = arith.index_cast %parallel_loop3A_436 : i32 to index
        %parallel_loop3A_438 = arith.index_cast %parallel_loop3A_279 : i32 to index
        %parallel_loop3A_439 = tpu.vector_load %arg6[%parallel_loop3A_437, %parallel_loop3A_438] {strides = array<i32>} : memref<16x1024xf32, #tpu.memory_space<vmem>>, vector<1x16xf32>,
        %parallel_loop3A_440 = vector.shape_cast %parallel_loop3A_439 : vector<1x16xf32> to vector<16xf32>
        %parallel_loop3A_441 = arith.addf %parallel_loop3A_440, %get3A_127 : vector<16xf32>
        %parallel_loop3A_442 = arith.constant 13 : i32
        %parallel_loop3A_443 = arith.index_cast %parallel_loop3A_442 : i32 to index
        %parallel_loop3A_444 = arith.index_cast %parallel_loop3A_279 : i32 to index
        %parallel_loop3A_445 = tpu.vector_load %arg8[%parallel_loop3A_443, %parallel_loop3A_444] {strides = array<i32>} : memref<16x1024xf32, #tpu.memory_space<vmem>>, vector<1x16xf32>,
        %parallel_loop3A_446 = vector.shape_cast %parallel_loop3A_445 : vector<1x16xf32> to vector<16xf32>
        %parallel_loop3A_447 = vector.shape_cast %parallel_loop3A_441 : vector<16xf32> to vector<1x16xf32>
        tpu.vector_store %arg8[%parallel_loop3A_443, %parallel_loop3A_444], %parallel_loop3A_447 {strides = array<i32>} : memref<16x1024xf32, #tpu.memory_space<vmem>>, vector<1x16xf32>,
        %parallel_loop3A_448 = arith.constant 14 : i32
        %parallel_loop3A_449 = arith.index_cast %parallel_loop3A_448 : i32 to index
        %parallel_loop3A_450 = arith.index_cast %parallel_loop3A_279 : i32 to index
        %parallel_loop3A_451 = tpu.vector_load %arg6[%parallel_loop3A_449, %parallel_loop3A_450] {strides = array<i32>} : memref<16x1024xf32, #tpu.memory_space<vmem>>, vector<1x16xf32>,
        %parallel_loop3A_452 = vector.shape_cast %parallel_loop3A_451 : vector<1x16xf32> to vector<16xf32>
        %parallel_loop3A_453 = arith.addf %parallel_loop3A_452, %get3A_132 : vector<16xf32>
        %parallel_loop3A_454 = arith.constant 14 : i32
        %parallel_loop3A_455 = arith.index_cast %parallel_loop3A_454 : i32 to index
        %parallel_loop3A_456 = arith.index_cast %parallel_loop3A_279 : i32 to index
        %parallel_loop3A_457 = tpu.vector_load %arg8[%parallel_loop3A_455, %parallel_loop3A_456] {strides = array<i32>} : memref<16x1024xf32, #tpu.memory_space<vmem>>, vector<1x16xf32>,
        %parallel_loop3A_458 = vector.shape_cast %parallel_loop3A_457 : vector<1x16xf32> to vector<16xf32>
        %parallel_loop3A_459 = vector.shape_cast %parallel_loop3A_453 : vector<16xf32> to vector<1x16xf32>
        tpu.vector_store %arg8[%parallel_loop3A_455, %parallel_loop3A_456], %parallel_loop3A_459 {strides = array<i32>} : memref<16x1024xf32, #tpu.memory_space<vmem>>, vector<1x16xf32>,
        %parallel_loop3A_460 = arith.constant 15 : i32
        %parallel_loop3A_461 = arith.index_cast %parallel_loop3A_460 : i32 to index
        %parallel_loop3A_462 = arith.index_cast %parallel_loop3A_279 : i32 to index
        %parallel_loop3A_463 = tpu.vector_load %arg6[%parallel_loop3A_461, %parallel_loop3A_462] {strides = array<i32>} : memref<16x1024xf32, #tpu.memory_space<vmem>>, vector<1x16xf32>,
        %parallel_loop3A_464 = vector.shape_cast %parallel_loop3A_463 : vector<1x16xf32> to vector<16xf32>
        %parallel_loop3A_465 = arith.addf %parallel_loop3A_464, %get3A_137 : vector<16xf32>
        %parallel_loop3A_466 = arith.constant 15 : i32
        %parallel_loop3A_467 = arith.index_cast %parallel_loop3A_466 : i32 to index
        %parallel_loop3A_468 = arith.index_cast %parallel_loop3A_279 : i32 to index
        %parallel_loop3A_469 = tpu.vector_load %arg8[%parallel_loop3A_467, %parallel_loop3A_468] {strides = array<i32>} : memref<16x1024xf32, #tpu.memory_space<vmem>>, vector<1x16xf32>,
        %parallel_loop3A_470 = vector.shape_cast %parallel_loop3A_469 : vector<1x16xf32> to vector<16xf32>
        %parallel_loop3A_471 = vector.shape_cast %parallel_loop3A_465 : vector<16xf32> to vector<1x16xf32>
        tpu.vector_store %arg8[%parallel_loop3A_467, %parallel_loop3A_468], %parallel_loop3A_471 {strides = array<i32>} : memref<16x1024xf32, #tpu.memory_space<vmem>>, vector<1x16xf32>,
      } {sc.loop_unroll_factor = 1 : i64, sc.parallel_access}
      %mul3A_140 = arith.constant 25 : i32
      %mul3A_141 = arith.muli %add3A, %mul3A_140 : i32
      %add3A_142 = arith.addi %mul3A_141, %scan3A_38 : i32
      %mul3A_143 = arith.constant 16 : i32
      %mul3A_144 = arith.muli %add3A_142, %mul3A_143 : i32
      %add3A_145 = arith.constant 64 : i32
      %add3A_146 = arith.addi %add3A_145, %mul3A_144 : i32
      %dma_start3A_147 = arith.constant 0 : i32
      %dma_start3A_148 = tpu.memref_slice %arg5[%add3A_146, %dma_start3A_147] : memref<25664x1024xf32, #tpu.memory_space<hbm>> -> memref<16x1024xf32, #tpu.memory_space<hbm>>
      %dma_start3A_149 = arith.constant 0 : i32
      %dma_start3A_150 = tpu.memref_slice %arg5[%add3A_146, %dma_start3A_149] : memref<25664x1024xf32, #tpu.memory_space<hbm>> -> memref<16x1024xf32, #tpu.memory_space<hbm>>
      tpu.enqueue_dma source(%arg8 : memref<16x1024xf32, #tpu.memory_space<vmem>>) target(%dma_start3A_150 : memref<16x1024xf32, #tpu.memory_space<hbm>>) target_semaphore(%arg13 : memref<!tpu.dma_semaphore, #tpu.memory_space<semaphore_mem>>)
      %lt3A_151 = arith.constant 24 : i32
      %lt3A_152 = arith.cmpi slt, %scan3A_38, %lt3A_151 : i32
      %convert_element_type3A_153 = arith.extui %lt3A_152 : i1 to i32
      %cond3A_154 = arith.constant 0 : i32
      %cond3A_155 = arith.cmpi ne, %convert_element_type3A_153, %cond3A_154 : i32
      scf.if %cond3A_155 {
        %add3A_277 = arith.constant 1 : i32
        %add3A_278 = arith.addi %scan3A_38, %add3A_277 : i32
        %mul3A_279 = arith.constant 25 : i32
        %mul3A_280 = arith.muli %add3A, %mul3A_279 : i32
        %add3A_281 = arith.addi %mul3A_280, %add3A_278 : i32
        %mul3A_282 = arith.constant 16 : i32
        %mul3A_283 = arith.muli %add3A_281, %mul3A_282 : i32
        %dma_start3A_284 = arith.constant 0 : i32
        %dma_start3A_285 = tpu.memref_slice %arg2[%mul3A_283, %dma_start3A_284] : memref<12800x1024xf32, #tpu.memory_space<hbm>> -> memref<16x1024xf32, #tpu.memory_space<hbm>>
        %dma_start3A_286 = arith.constant 0 : i32
        %dma_start3A_287 = tpu.memref_slice %arg2[%mul3A_283, %dma_start3A_286] : memref<12800x1024xf32, #tpu.memory_space<hbm>> -> memref<16x1024xf32, #tpu.memory_space<hbm>>
        tpu.enqueue_dma source(%dma_start3A_287 : memref<16x1024xf32, #tpu.memory_space<hbm>>) target(%arg6 : memref<16x1024xf32, #tpu.memory_space<vmem>>) target_semaphore(%arg11 : memref<!tpu.dma_semaphore, #tpu.memory_space<semaphore_mem>>)
      } else {
      }
      %dma_wait3A_156 = arith.constant 0 : i32
      %dma_wait3A_157 = arith.constant 0 : i32
      %dma_wait3A_158 = tpu.memref_slice %arg3[%dma_wait3A_156, %dma_wait3A_157] : memref<12800x1024xf32, #tpu.memory_space<hbm>> -> memref<16x1024xf32, #tpu.memory_space<hbm>>
      %dma_wait3A_159 = arith.constant 0 : i32
      %dma_wait3A_160 = arith.constant 0 : i32
      %dma_wait3A_161 = tpu.memref_slice %arg3[%dma_wait3A_159, %dma_wait3A_160] : memref<12800x1024xf32, #tpu.memory_space<hbm>> -> memref<16x1024xf32, #tpu.memory_space<hbm>>
      tpu.wait_dma2 semaphore(%arg12 : memref<!tpu.dma_semaphore, #tpu.memory_space<semaphore_mem>>) src(%dma_wait3A_161 : memref<16x1024xf32, #tpu.memory_space<hbm>>) dst(%arg7 : memref<16x1024xf32, #tpu.memory_space<vmem>>)
      %gt3A_162 = arith.constant 0 : i32
      %gt3A_163 = arith.cmpi sgt, %scan3A_38, %gt3A_162 : i32
      %convert_element_type3A_164 = arith.extui %gt3A_163 : i1 to i32
      %cond3A_165 = arith.constant 0 : i32
      %cond3A_166 = arith.cmpi ne, %convert_element_type3A_164, %cond3A_165 : i32
      scf.if %cond3A_166 {
        %dma_wait3A_277 = arith.constant 0 : i32
        %dma_wait3A_278 = arith.constant 0 : i32
        %dma_wait3A_279 = tpu.memref_slice %arg5[%dma_wait3A_277, %dma_wait3A_278] : memref<25664x1024xf32, #tpu.memory_space<hbm>> -> memref<16x1024xf32, #tpu.memory_space<hbm>>
        %dma_wait3A_280 = arith.constant 0 : i32
        %dma_wait3A_281 = arith.constant 0 : i32
        %dma_wait3A_282 = tpu.memref_slice %arg5[%dma_wait3A_280, %dma_wait3A_281] : memref<25664x1024xf32, #tpu.memory_space<hbm>> -> memref<16x1024xf32, #tpu.memory_space<hbm>>
        tpu.wait_dma2 semaphore(%arg14 : memref<!tpu.dma_semaphore, #tpu.memory_space<semaphore_mem>>) src(%arg9 : memref<16x1024xf32, #tpu.memory_space<vmem>>) dst(%dma_wait3A_282 : memref<16x1024xf32, #tpu.memory_space<hbm>>)
      } else {
      }
      %mul3A_167 = arith.constant 25 : i32
      %mul3A_168 = arith.muli %add3A, %mul3A_167 : i32
      %add3A_169 = arith.addi %mul3A_168, %scan3A_38 : i32
      %mul3A_170 = arith.constant 16 : i32
      %mul3A_171 = arith.muli %add3A_169, %mul3A_170 : i32
      %and3A_172 = arith.constant 63 : i32
      %and3A_173 = arith.andi %mul3A_171, %and3A_172 : i32
      %mul3A_174 = arith.constant 16 : i32
      %mul3A_175 = arith.muli %and3A_173, %mul3A_174 : i32
      %add3A_176 = arith.constant 1024 : i32
      %add3A_177 = arith.addi %add3A_176, %mul3A_175 : i32
      %add3A_178 = arith.constant 0 : i32
      %add3A_179 = arith.addi %add3A_177, %add3A_178 : i32
      %get3A_180 = arith.index_cast %add3A_179 : i32 to index
      %get3A_181 = tpu.vector_load %arg10[%get3A_180] {strides = array<i32>} : memref<3072xf32, #tpu.memory_space<vmem>>, vector<16xf32>,
      %get3A_182 = vector.shape_cast %get3A_181 : vector<16xf32> to vector<16xf32>
      %add3A_183 = arith.constant 16 : i32
      %add3A_184 = arith.addi %add3A_177, %add3A_183 : i32
      %get3A_185 = arith.index_cast %add3A_184 : i32 to index
      %get3A_186 = tpu.vector_load %arg10[%get3A_185] {strides = array<i32>} : memref<3072xf32, #tpu.memory_space<vmem>>, vector<16xf32>,
      %get3A_187 = vector.shape_cast %get3A_186 : vector<16xf32> to vector<16xf32>
      %add3A_188 = arith.constant 32 : i32
      %add3A_189 = arith.addi %add3A_177, %add3A_188 : i32
      %get3A_190 = arith.index_cast %add3A_189 : i32 to index
      %get3A_191 = tpu.vector_load %arg10[%get3A_190] {strides = array<i32>} : memref<3072xf32, #tpu.memory_space<vmem>>, vector<16xf32>,
      %get3A_192 = vector.shape_cast %get3A_191 : vector<16xf32> to vector<16xf32>
      %add3A_193 = arith.constant 48 : i32
      %add3A_194 = arith.addi %add3A_177, %add3A_193 : i32
      %get3A_195 = arith.index_cast %add3A_194 : i32 to index
      %get3A_196 = tpu.vector_load %arg10[%get3A_195] {strides = array<i32>} : memref<3072xf32, #tpu.memory_space<vmem>>, vector<16xf32>,
      %get3A_197 = vector.shape_cast %get3A_196 : vector<16xf32> to vector<16xf32>
      %add3A_198 = arith.constant 64 : i32
      %add3A_199 = arith.addi %add3A_177, %add3A_198 : i32
      %get3A_200 = arith.index_cast %add3A_199 : i32 to index
      %get3A_201 = tpu.vector_load %arg10[%get3A_200] {strides = array<i32>} : memref<3072xf32, #tpu.memory_space<vmem>>, vector<16xf32>,
      %get3A_202 = vector.shape_cast %get3A_201 : vector<16xf32> to vector<16xf32>
      %add3A_203 = arith.constant 80 : i32
      %add3A_204 = arith.addi %add3A_177, %add3A_203 : i32
      %get3A_205 = arith.index_cast %add3A_204 : i32 to index
      %get3A_206 = tpu.vector_load %arg10[%get3A_205] {strides = array<i32>} : memref<3072xf32, #tpu.memory_space<vmem>>, vector<16xf32>,
      %get3A_207 = vector.shape_cast %get3A_206 : vector<16xf32> to vector<16xf32>
      %add3A_208 = arith.constant 96 : i32
      %add3A_209 = arith.addi %add3A_177, %add3A_208 : i32
      %get3A_210 = arith.index_cast %add3A_209 : i32 to index
      %get3A_211 = tpu.vector_load %arg10[%get3A_210] {strides = array<i32>} : memref<3072xf32, #tpu.memory_space<vmem>>, vector<16xf32>,
      %get3A_212 = vector.shape_cast %get3A_211 : vector<16xf32> to vector<16xf32>
      %add3A_213 = arith.constant 112 : i32
      %add3A_214 = arith.addi %add3A_177, %add3A_213 : i32
      %get3A_215 = arith.index_cast %add3A_214 : i32 to index
      %get3A_216 = tpu.vector_load %arg10[%get3A_215] {strides = array<i32>} : memref<3072xf32, #tpu.memory_space<vmem>>, vector<16xf32>,
      %get3A_217 = vector.shape_cast %get3A_216 : vector<16xf32> to vector<16xf32>
      %add3A_218 = arith.constant 128 : i32
      %add3A_219 = arith.addi %add3A_177, %add3A_218 : i32
      %get3A_220 = arith.index_cast %add3A_219 : i32 to index
      %get3A_221 = tpu.vector_load %arg10[%get3A_220] {strides = array<i32>} : memref<3072xf32, #tpu.memory_space<vmem>>, vector<16xf32>,
      %get3A_222 = vector.shape_cast %get3A_221 : vector<16xf32> to vector<16xf32>
      %add3A_223 = arith.constant 144 : i32
      %add3A_224 = arith.addi %add3A_177, %add3A_223 : i32
      %get3A_225 = arith.index_cast %add3A_224 : i32 to index
      %get3A_226 = tpu.vector_load %arg10[%get3A_225] {strides = array<i32>} : memref<3072xf32, #tpu.memory_space<vmem>>, vector<16xf32>,
      %get3A_227 = vector.shape_cast %get3A_226 : vector<16xf32> to vector<16xf32>
      %add3A_228 = arith.constant 160 : i32
      %add3A_229 = arith.addi %add3A_177, %add3A_228 : i32
      %get3A_230 = arith.index_cast %add3A_229 : i32 to index
      %get3A_231 = tpu.vector_load %arg10[%get3A_230] {strides = array<i32>} : memref<3072xf32, #tpu.memory_space<vmem>>, vector<16xf32>,
      %get3A_232 = vector.shape_cast %get3A_231 : vector<16xf32> to vector<16xf32>
      %add3A_233 = arith.constant 176 : i32
      %add3A_234 = arith.addi %add3A_177, %add3A_233 : i32
      %get3A_235 = arith.index_cast %add3A_234 : i32 to index
      %get3A_236 = tpu.vector_load %arg10[%get3A_235] {strides = array<i32>} : memref<3072xf32, #tpu.memory_space<vmem>>, vector<16xf32>,
      %get3A_237 = vector.shape_cast %get3A_236 : vector<16xf32> to vector<16xf32>
      %add3A_238 = arith.constant 192 : i32
      %add3A_239 = arith.addi %add3A_177, %add3A_238 : i32
      %get3A_240 = arith.index_cast %add3A_239 : i32 to index
      %get3A_241 = tpu.vector_load %arg10[%get3A_240] {strides = array<i32>} : memref<3072xf32, #tpu.memory_space<vmem>>, vector<16xf32>,
      %get3A_242 = vector.shape_cast %get3A_241 : vector<16xf32> to vector<16xf32>
      %add3A_243 = arith.constant 208 : i32
      %add3A_244 = arith.addi %add3A_177, %add3A_243 : i32
      %get3A_245 = arith.index_cast %add3A_244 : i32 to index
      %get3A_246 = tpu.vector_load %arg10[%get3A_245] {strides = array<i32>} : memref<3072xf32, #tpu.memory_space<vmem>>, vector<16xf32>,
      %get3A_247 = vector.shape_cast %get3A_246 : vector<16xf32> to vector<16xf32>
      %add3A_248 = arith.constant 224 : i32
      %add3A_249 = arith.addi %add3A_177, %add3A_248 : i32
      %get3A_250 = arith.index_cast %add3A_249 : i32 to index
      %get3A_251 = tpu.vector_load %arg10[%get3A_250] {strides = array<i32>} : memref<3072xf32, #tpu.memory_space<vmem>>, vector<16xf32>,
      %get3A_252 = vector.shape_cast %get3A_251 : vector<16xf32> to vector<16xf32>
      %add3A_253 = arith.constant 240 : i32
      %add3A_254 = arith.addi %add3A_177, %add3A_253 : i32
      %get3A_255 = arith.index_cast %add3A_254 : i32 to index
      %get3A_256 = tpu.vector_load %arg10[%get3A_255] {strides = array<i32>} : memref<3072xf32, #tpu.memory_space<vmem>>, vector<16xf32>,
      %get3A_257 = vector.shape_cast %get3A_256 : vector<16xf32> to vector<16xf32>
      %parallel_loop3A_258 = arith.constant 0 : i32
      %parallel_loop3A_259 = arith.constant 64 : i32
      %parallel_loop3A_260 = arith.constant 1 : i32
      scf.for %parallel_loop3A_277 = %parallel_loop3A_258 to %parallel_loop3A_259 step %parallel_loop3A_260  : i32 {
        %parallel_loop3A_278 = arith.constant 16 : i32
        %parallel_loop3A_279 = arith.muli %parallel_loop3A_277, %parallel_loop3A_278 : i32
        %parallel_loop3A_280 = arith.constant 0 : i32
        %parallel_loop3A_281 = arith.index_cast %parallel_loop3A_280 : i32 to index
        %parallel_loop3A_282 = arith.index_cast %parallel_loop3A_279 : i32 to index
        %parallel_loop3A_283 = tpu.vector_load %arg7[%parallel_loop3A_281, %parallel_loop3A_282] {strides = array<i32>} : memref<16x1024xf32, #tpu.memory_space<vmem>>, vector<1x16xf32>,
        %parallel_loop3A_284 = vector.shape_cast %parallel_loop3A_283 : vector<1x16xf32> to vector<16xf32>
        %parallel_loop3A_285 = arith.addf %parallel_loop3A_284, %get3A_182 : vector<16xf32>
        %parallel_loop3A_286 = arith.constant 0 : i32
        %parallel_loop3A_287 = arith.index_cast %parallel_loop3A_286 : i32 to index
        %parallel_loop3A_288 = arith.index_cast %parallel_loop3A_279 : i32 to index
        %parallel_loop3A_289 = tpu.vector_load %arg9[%parallel_loop3A_287, %parallel_loop3A_288] {strides = array<i32>} : memref<16x1024xf32, #tpu.memory_space<vmem>>, vector<1x16xf32>,
        %parallel_loop3A_290 = vector.shape_cast %parallel_loop3A_289 : vector<1x16xf32> to vector<16xf32>
        %parallel_loop3A_291 = vector.shape_cast %parallel_loop3A_285 : vector<16xf32> to vector<1x16xf32>
        tpu.vector_store %arg9[%parallel_loop3A_287, %parallel_loop3A_288], %parallel_loop3A_291 {strides = array<i32>} : memref<16x1024xf32, #tpu.memory_space<vmem>>, vector<1x16xf32>,
        %parallel_loop3A_292 = arith.constant 1 : i32
        %parallel_loop3A_293 = arith.index_cast %parallel_loop3A_292 : i32 to index
        %parallel_loop3A_294 = arith.index_cast %parallel_loop3A_279 : i32 to index
        %parallel_loop3A_295 = tpu.vector_load %arg7[%parallel_loop3A_293, %parallel_loop3A_294] {strides = array<i32>} : memref<16x1024xf32, #tpu.memory_space<vmem>>, vector<1x16xf32>,
        %parallel_loop3A_296 = vector.shape_cast %parallel_loop3A_295 : vector<1x16xf32> to vector<16xf32>
        %parallel_loop3A_297 = arith.addf %parallel_loop3A_296, %get3A_187 : vector<16xf32>
        %parallel_loop3A_298 = arith.constant 1 : i32
        %parallel_loop3A_299 = arith.index_cast %parallel_loop3A_298 : i32 to index
        %parallel_loop3A_300 = arith.index_cast %parallel_loop3A_279 : i32 to index
        %parallel_loop3A_301 = tpu.vector_load %arg9[%parallel_loop3A_299, %parallel_loop3A_300] {strides = array<i32>} : memref<16x1024xf32, #tpu.memory_space<vmem>>, vector<1x16xf32>,
        %parallel_loop3A_302 = vector.shape_cast %parallel_loop3A_301 : vector<1x16xf32> to vector<16xf32>
        %parallel_loop3A_303 = vector.shape_cast %parallel_loop3A_297 : vector<16xf32> to vector<1x16xf32>
        tpu.vector_store %arg9[%parallel_loop3A_299, %parallel_loop3A_300], %parallel_loop3A_303 {strides = array<i32>} : memref<16x1024xf32, #tpu.memory_space<vmem>>, vector<1x16xf32>,
        %parallel_loop3A_304 = arith.constant 2 : i32
        %parallel_loop3A_305 = arith.index_cast %parallel_loop3A_304 : i32 to index
        %parallel_loop3A_306 = arith.index_cast %parallel_loop3A_279 : i32 to index
        %parallel_loop3A_307 = tpu.vector_load %arg7[%parallel_loop3A_305, %parallel_loop3A_306] {strides = array<i32>} : memref<16x1024xf32, #tpu.memory_space<vmem>>, vector<1x16xf32>,
        %parallel_loop3A_308 = vector.shape_cast %parallel_loop3A_307 : vector<1x16xf32> to vector<16xf32>
        %parallel_loop3A_309 = arith.addf %parallel_loop3A_308, %get3A_192 : vector<16xf32>
        %parallel_loop3A_310 = arith.constant 2 : i32
        %parallel_loop3A_311 = arith.index_cast %parallel_loop3A_310 : i32 to index
        %parallel_loop3A_312 = arith.index_cast %parallel_loop3A_279 : i32 to index
        %parallel_loop3A_313 = tpu.vector_load %arg9[%parallel_loop3A_311, %parallel_loop3A_312] {strides = array<i32>} : memref<16x1024xf32, #tpu.memory_space<vmem>>, vector<1x16xf32>,
        %parallel_loop3A_314 = vector.shape_cast %parallel_loop3A_313 : vector<1x16xf32> to vector<16xf32>
        %parallel_loop3A_315 = vector.shape_cast %parallel_loop3A_309 : vector<16xf32> to vector<1x16xf32>
        tpu.vector_store %arg9[%parallel_loop3A_311, %parallel_loop3A_312], %parallel_loop3A_315 {strides = array<i32>} : memref<16x1024xf32, #tpu.memory_space<vmem>>, vector<1x16xf32>,
        %parallel_loop3A_316 = arith.constant 3 : i32
        %parallel_loop3A_317 = arith.index_cast %parallel_loop3A_316 : i32 to index
        %parallel_loop3A_318 = arith.index_cast %parallel_loop3A_279 : i32 to index
        %parallel_loop3A_319 = tpu.vector_load %arg7[%parallel_loop3A_317, %parallel_loop3A_318] {strides = array<i32>} : memref<16x1024xf32, #tpu.memory_space<vmem>>, vector<1x16xf32>,
        %parallel_loop3A_320 = vector.shape_cast %parallel_loop3A_319 : vector<1x16xf32> to vector<16xf32>
        %parallel_loop3A_321 = arith.addf %parallel_loop3A_320, %get3A_197 : vector<16xf32>
        %parallel_loop3A_322 = arith.constant 3 : i32
        %parallel_loop3A_323 = arith.index_cast %parallel_loop3A_322 : i32 to index
        %parallel_loop3A_324 = arith.index_cast %parallel_loop3A_279 : i32 to index
        %parallel_loop3A_325 = tpu.vector_load %arg9[%parallel_loop3A_323, %parallel_loop3A_324] {strides = array<i32>} : memref<16x1024xf32, #tpu.memory_space<vmem>>, vector<1x16xf32>,
        %parallel_loop3A_326 = vector.shape_cast %parallel_loop3A_325 : vector<1x16xf32> to vector<16xf32>
        %parallel_loop3A_327 = vector.shape_cast %parallel_loop3A_321 : vector<16xf32> to vector<1x16xf32>
        tpu.vector_store %arg9[%parallel_loop3A_323, %parallel_loop3A_324], %parallel_loop3A_327 {strides = array<i32>} : memref<16x1024xf32, #tpu.memory_space<vmem>>, vector<1x16xf32>,
        %parallel_loop3A_328 = arith.constant 4 : i32
        %parallel_loop3A_329 = arith.index_cast %parallel_loop3A_328 : i32 to index
        %parallel_loop3A_330 = arith.index_cast %parallel_loop3A_279 : i32 to index
        %parallel_loop3A_331 = tpu.vector_load %arg7[%parallel_loop3A_329, %parallel_loop3A_330] {strides = array<i32>} : memref<16x1024xf32, #tpu.memory_space<vmem>>, vector<1x16xf32>,
        %parallel_loop3A_332 = vector.shape_cast %parallel_loop3A_331 : vector<1x16xf32> to vector<16xf32>
        %parallel_loop3A_333 = arith.addf %parallel_loop3A_332, %get3A_202 : vector<16xf32>
        %parallel_loop3A_334 = arith.constant 4 : i32
        %parallel_loop3A_335 = arith.index_cast %parallel_loop3A_334 : i32 to index
        %parallel_loop3A_336 = arith.index_cast %parallel_loop3A_279 : i32 to index
        %parallel_loop3A_337 = tpu.vector_load %arg9[%parallel_loop3A_335, %parallel_loop3A_336] {strides = array<i32>} : memref<16x1024xf32, #tpu.memory_space<vmem>>, vector<1x16xf32>,
        %parallel_loop3A_338 = vector.shape_cast %parallel_loop3A_337 : vector<1x16xf32> to vector<16xf32>
        %parallel_loop3A_339 = vector.shape_cast %parallel_loop3A_333 : vector<16xf32> to vector<1x16xf32>
        tpu.vector_store %arg9[%parallel_loop3A_335, %parallel_loop3A_336], %parallel_loop3A_339 {strides = array<i32>} : memref<16x1024xf32, #tpu.memory_space<vmem>>, vector<1x16xf32>,
        %parallel_loop3A_340 = arith.constant 5 : i32
        %parallel_loop3A_341 = arith.index_cast %parallel_loop3A_340 : i32 to index
        %parallel_loop3A_342 = arith.index_cast %parallel_loop3A_279 : i32 to index
        %parallel_loop3A_343 = tpu.vector_load %arg7[%parallel_loop3A_341, %parallel_loop3A_342] {strides = array<i32>} : memref<16x1024xf32, #tpu.memory_space<vmem>>, vector<1x16xf32>,
        %parallel_loop3A_344 = vector.shape_cast %parallel_loop3A_343 : vector<1x16xf32> to vector<16xf32>
        %parallel_loop3A_345 = arith.addf %parallel_loop3A_344, %get3A_207 : vector<16xf32>
        %parallel_loop3A_346 = arith.constant 5 : i32
        %parallel_loop3A_347 = arith.index_cast %parallel_loop3A_346 : i32 to index
        %parallel_loop3A_348 = arith.index_cast %parallel_loop3A_279 : i32 to index
        %parallel_loop3A_349 = tpu.vector_load %arg9[%parallel_loop3A_347, %parallel_loop3A_348] {strides = array<i32>} : memref<16x1024xf32, #tpu.memory_space<vmem>>, vector<1x16xf32>,
        %parallel_loop3A_350 = vector.shape_cast %parallel_loop3A_349 : vector<1x16xf32> to vector<16xf32>
        %parallel_loop3A_351 = vector.shape_cast %parallel_loop3A_345 : vector<16xf32> to vector<1x16xf32>
        tpu.vector_store %arg9[%parallel_loop3A_347, %parallel_loop3A_348], %parallel_loop3A_351 {strides = array<i32>} : memref<16x1024xf32, #tpu.memory_space<vmem>>, vector<1x16xf32>,
        %parallel_loop3A_352 = arith.constant 6 : i32
        %parallel_loop3A_353 = arith.index_cast %parallel_loop3A_352 : i32 to index
        %parallel_loop3A_354 = arith.index_cast %parallel_loop3A_279 : i32 to index
        %parallel_loop3A_355 = tpu.vector_load %arg7[%parallel_loop3A_353, %parallel_loop3A_354] {strides = array<i32>} : memref<16x1024xf32, #tpu.memory_space<vmem>>, vector<1x16xf32>,
        %parallel_loop3A_356 = vector.shape_cast %parallel_loop3A_355 : vector<1x16xf32> to vector<16xf32>
        %parallel_loop3A_357 = arith.addf %parallel_loop3A_356, %get3A_212 : vector<16xf32>
        %parallel_loop3A_358 = arith.constant 6 : i32
        %parallel_loop3A_359 = arith.index_cast %parallel_loop3A_358 : i32 to index
        %parallel_loop3A_360 = arith.index_cast %parallel_loop3A_279 : i32 to index
        %parallel_loop3A_361 = tpu.vector_load %arg9[%parallel_loop3A_359, %parallel_loop3A_360] {strides = array<i32>} : memref<16x1024xf32, #tpu.memory_space<vmem>>, vector<1x16xf32>,
        %parallel_loop3A_362 = vector.shape_cast %parallel_loop3A_361 : vector<1x16xf32> to vector<16xf32>
        %parallel_loop3A_363 = vector.shape_cast %parallel_loop3A_357 : vector<16xf32> to vector<1x16xf32>
        tpu.vector_store %arg9[%parallel_loop3A_359, %parallel_loop3A_360], %parallel_loop3A_363 {strides = array<i32>} : memref<16x1024xf32, #tpu.memory_space<vmem>>, vector<1x16xf32>,
        %parallel_loop3A_364 = arith.constant 7 : i32
        %parallel_loop3A_365 = arith.index_cast %parallel_loop3A_364 : i32 to index
        %parallel_loop3A_366 = arith.index_cast %parallel_loop3A_279 : i32 to index
        %parallel_loop3A_367 = tpu.vector_load %arg7[%parallel_loop3A_365, %parallel_loop3A_366] {strides = array<i32>} : memref<16x1024xf32, #tpu.memory_space<vmem>>, vector<1x16xf32>,
        %parallel_loop3A_368 = vector.shape_cast %parallel_loop3A_367 : vector<1x16xf32> to vector<16xf32>
        %parallel_loop3A_369 = arith.addf %parallel_loop3A_368, %get3A_217 : vector<16xf32>
        %parallel_loop3A_370 = arith.constant 7 : i32
        %parallel_loop3A_371 = arith.index_cast %parallel_loop3A_370 : i32 to index
        %parallel_loop3A_372 = arith.index_cast %parallel_loop3A_279 : i32 to index
        %parallel_loop3A_373 = tpu.vector_load %arg9[%parallel_loop3A_371, %parallel_loop3A_372] {strides = array<i32>} : memref<16x1024xf32, #tpu.memory_space<vmem>>, vector<1x16xf32>,
        %parallel_loop3A_374 = vector.shape_cast %parallel_loop3A_373 : vector<1x16xf32> to vector<16xf32>
        %parallel_loop3A_375 = vector.shape_cast %parallel_loop3A_369 : vector<16xf32> to vector<1x16xf32>
        tpu.vector_store %arg9[%parallel_loop3A_371, %parallel_loop3A_372], %parallel_loop3A_375 {strides = array<i32>} : memref<16x1024xf32, #tpu.memory_space<vmem>>, vector<1x16xf32>,
        %parallel_loop3A_376 = arith.constant 8 : i32
        %parallel_loop3A_377 = arith.index_cast %parallel_loop3A_376 : i32 to index
        %parallel_loop3A_378 = arith.index_cast %parallel_loop3A_279 : i32 to index
        %parallel_loop3A_379 = tpu.vector_load %arg7[%parallel_loop3A_377, %parallel_loop3A_378] {strides = array<i32>} : memref<16x1024xf32, #tpu.memory_space<vmem>>, vector<1x16xf32>,
        %parallel_loop3A_380 = vector.shape_cast %parallel_loop3A_379 : vector<1x16xf32> to vector<16xf32>
        %parallel_loop3A_381 = arith.addf %parallel_loop3A_380, %get3A_222 : vector<16xf32>
        %parallel_loop3A_382 = arith.constant 8 : i32
        %parallel_loop3A_383 = arith.index_cast %parallel_loop3A_382 : i32 to index
        %parallel_loop3A_384 = arith.index_cast %parallel_loop3A_279 : i32 to index
        %parallel_loop3A_385 = tpu.vector_load %arg9[%parallel_loop3A_383, %parallel_loop3A_384] {strides = array<i32>} : memref<16x1024xf32, #tpu.memory_space<vmem>>, vector<1x16xf32>,
        %parallel_loop3A_386 = vector.shape_cast %parallel_loop3A_385 : vector<1x16xf32> to vector<16xf32>
        %parallel_loop3A_387 = vector.shape_cast %parallel_loop3A_381 : vector<16xf32> to vector<1x16xf32>
        tpu.vector_store %arg9[%parallel_loop3A_383, %parallel_loop3A_384], %parallel_loop3A_387 {strides = array<i32>} : memref<16x1024xf32, #tpu.memory_space<vmem>>, vector<1x16xf32>,
        %parallel_loop3A_388 = arith.constant 9 : i32
        %parallel_loop3A_389 = arith.index_cast %parallel_loop3A_388 : i32 to index
        %parallel_loop3A_390 = arith.index_cast %parallel_loop3A_279 : i32 to index
        %parallel_loop3A_391 = tpu.vector_load %arg7[%parallel_loop3A_389, %parallel_loop3A_390] {strides = array<i32>} : memref<16x1024xf32, #tpu.memory_space<vmem>>, vector<1x16xf32>,
        %parallel_loop3A_392 = vector.shape_cast %parallel_loop3A_391 : vector<1x16xf32> to vector<16xf32>
        %parallel_loop3A_393 = arith.addf %parallel_loop3A_392, %get3A_227 : vector<16xf32>
        %parallel_loop3A_394 = arith.constant 9 : i32
        %parallel_loop3A_395 = arith.index_cast %parallel_loop3A_394 : i32 to index
        %parallel_loop3A_396 = arith.index_cast %parallel_loop3A_279 : i32 to index
        %parallel_loop3A_397 = tpu.vector_load %arg9[%parallel_loop3A_395, %parallel_loop3A_396] {strides = array<i32>} : memref<16x1024xf32, #tpu.memory_space<vmem>>, vector<1x16xf32>,
        %parallel_loop3A_398 = vector.shape_cast %parallel_loop3A_397 : vector<1x16xf32> to vector<16xf32>
        %parallel_loop3A_399 = vector.shape_cast %parallel_loop3A_393 : vector<16xf32> to vector<1x16xf32>
        tpu.vector_store %arg9[%parallel_loop3A_395, %parallel_loop3A_396], %parallel_loop3A_399 {strides = array<i32>} : memref<16x1024xf32, #tpu.memory_space<vmem>>, vector<1x16xf32>,
        %parallel_loop3A_400 = arith.constant 10 : i32
        %parallel_loop3A_401 = arith.index_cast %parallel_loop3A_400 : i32 to index
        %parallel_loop3A_402 = arith.index_cast %parallel_loop3A_279 : i32 to index
        %parallel_loop3A_403 = tpu.vector_load %arg7[%parallel_loop3A_401, %parallel_loop3A_402] {strides = array<i32>} : memref<16x1024xf32, #tpu.memory_space<vmem>>, vector<1x16xf32>,
        %parallel_loop3A_404 = vector.shape_cast %parallel_loop3A_403 : vector<1x16xf32> to vector<16xf32>
        %parallel_loop3A_405 = arith.addf %parallel_loop3A_404, %get3A_232 : vector<16xf32>
        %parallel_loop3A_406 = arith.constant 10 : i32
        %parallel_loop3A_407 = arith.index_cast %parallel_loop3A_406 : i32 to index
        %parallel_loop3A_408 = arith.index_cast %parallel_loop3A_279 : i32 to index
        %parallel_loop3A_409 = tpu.vector_load %arg9[%parallel_loop3A_407, %parallel_loop3A_408] {strides = array<i32>} : memref<16x1024xf32, #tpu.memory_space<vmem>>, vector<1x16xf32>,
        %parallel_loop3A_410 = vector.shape_cast %parallel_loop3A_409 : vector<1x16xf32> to vector<16xf32>
        %parallel_loop3A_411 = vector.shape_cast %parallel_loop3A_405 : vector<16xf32> to vector<1x16xf32>
        tpu.vector_store %arg9[%parallel_loop3A_407, %parallel_loop3A_408], %parallel_loop3A_411 {strides = array<i32>} : memref<16x1024xf32, #tpu.memory_space<vmem>>, vector<1x16xf32>,
        %parallel_loop3A_412 = arith.constant 11 : i32
        %parallel_loop3A_413 = arith.index_cast %parallel_loop3A_412 : i32 to index
        %parallel_loop3A_414 = arith.index_cast %parallel_loop3A_279 : i32 to index
        %parallel_loop3A_415 = tpu.vector_load %arg7[%parallel_loop3A_413, %parallel_loop3A_414] {strides = array<i32>} : memref<16x1024xf32, #tpu.memory_space<vmem>>, vector<1x16xf32>,
        %parallel_loop3A_416 = vector.shape_cast %parallel_loop3A_415 : vector<1x16xf32> to vector<16xf32>
        %parallel_loop3A_417 = arith.addf %parallel_loop3A_416, %get3A_237 : vector<16xf32>
        %parallel_loop3A_418 = arith.constant 11 : i32
        %parallel_loop3A_419 = arith.index_cast %parallel_loop3A_418 : i32 to index
        %parallel_loop3A_420 = arith.index_cast %parallel_loop3A_279 : i32 to index
        %parallel_loop3A_421 = tpu.vector_load %arg9[%parallel_loop3A_419, %parallel_loop3A_420] {strides = array<i32>} : memref<16x1024xf32, #tpu.memory_space<vmem>>, vector<1x16xf32>,
        %parallel_loop3A_422 = vector.shape_cast %parallel_loop3A_421 : vector<1x16xf32> to vector<16xf32>
        %parallel_loop3A_423 = vector.shape_cast %parallel_loop3A_417 : vector<16xf32> to vector<1x16xf32>
        tpu.vector_store %arg9[%parallel_loop3A_419, %parallel_loop3A_420], %parallel_loop3A_423 {strides = array<i32>} : memref<16x1024xf32, #tpu.memory_space<vmem>>, vector<1x16xf32>,
        %parallel_loop3A_424 = arith.constant 12 : i32
        %parallel_loop3A_425 = arith.index_cast %parallel_loop3A_424 : i32 to index
        %parallel_loop3A_426 = arith.index_cast %parallel_loop3A_279 : i32 to index
        %parallel_loop3A_427 = tpu.vector_load %arg7[%parallel_loop3A_425, %parallel_loop3A_426] {strides = array<i32>} : memref<16x1024xf32, #tpu.memory_space<vmem>>, vector<1x16xf32>,
        %parallel_loop3A_428 = vector.shape_cast %parallel_loop3A_427 : vector<1x16xf32> to vector<16xf32>
        %parallel_loop3A_429 = arith.addf %parallel_loop3A_428, %get3A_242 : vector<16xf32>
        %parallel_loop3A_430 = arith.constant 12 : i32
        %parallel_loop3A_431 = arith.index_cast %parallel_loop3A_430 : i32 to index
        %parallel_loop3A_432 = arith.index_cast %parallel_loop3A_279 : i32 to index
        %parallel_loop3A_433 = tpu.vector_load %arg9[%parallel_loop3A_431, %parallel_loop3A_432] {strides = array<i32>} : memref<16x1024xf32, #tpu.memory_space<vmem>>, vector<1x16xf32>,
        %parallel_loop3A_434 = vector.shape_cast %parallel_loop3A_433 : vector<1x16xf32> to vector<16xf32>
        %parallel_loop3A_435 = vector.shape_cast %parallel_loop3A_429 : vector<16xf32> to vector<1x16xf32>
        tpu.vector_store %arg9[%parallel_loop3A_431, %parallel_loop3A_432], %parallel_loop3A_435 {strides = array<i32>} : memref<16x1024xf32, #tpu.memory_space<vmem>>, vector<1x16xf32>,
        %parallel_loop3A_436 = arith.constant 13 : i32
        %parallel_loop3A_437 = arith.index_cast %parallel_loop3A_436 : i32 to index
        %parallel_loop3A_438 = arith.index_cast %parallel_loop3A_279 : i32 to index
        %parallel_loop3A_439 = tpu.vector_load %arg7[%parallel_loop3A_437, %parallel_loop3A_438] {strides = array<i32>} : memref<16x1024xf32, #tpu.memory_space<vmem>>, vector<1x16xf32>,
        %parallel_loop3A_440 = vector.shape_cast %parallel_loop3A_439 : vector<1x16xf32> to vector<16xf32>
        %parallel_loop3A_441 = arith.addf %parallel_loop3A_440, %get3A_247 : vector<16xf32>
        %parallel_loop3A_442 = arith.constant 13 : i32
        %parallel_loop3A_443 = arith.index_cast %parallel_loop3A_442 : i32 to index
        %parallel_loop3A_444 = arith.index_cast %parallel_loop3A_279 : i32 to index
        %parallel_loop3A_445 = tpu.vector_load %arg9[%parallel_loop3A_443, %parallel_loop3A_444] {strides = array<i32>} : memref<16x1024xf32, #tpu.memory_space<vmem>>, vector<1x16xf32>,
        %parallel_loop3A_446 = vector.shape_cast %parallel_loop3A_445 : vector<1x16xf32> to vector<16xf32>
        %parallel_loop3A_447 = vector.shape_cast %parallel_loop3A_441 : vector<16xf32> to vector<1x16xf32>
        tpu.vector_store %arg9[%parallel_loop3A_443, %parallel_loop3A_444], %parallel_loop3A_447 {strides = array<i32>} : memref<16x1024xf32, #tpu.memory_space<vmem>>, vector<1x16xf32>,
        %parallel_loop3A_448 = arith.constant 14 : i32
        %parallel_loop3A_449 = arith.index_cast %parallel_loop3A_448 : i32 to index
        %parallel_loop3A_450 = arith.index_cast %parallel_loop3A_279 : i32 to index
        %parallel_loop3A_451 = tpu.vector_load %arg7[%parallel_loop3A_449, %parallel_loop3A_450] {strides = array<i32>} : memref<16x1024xf32, #tpu.memory_space<vmem>>, vector<1x16xf32>,
        %parallel_loop3A_452 = vector.shape_cast %parallel_loop3A_451 : vector<1x16xf32> to vector<16xf32>
        %parallel_loop3A_453 = arith.addf %parallel_loop3A_452, %get3A_252 : vector<16xf32>
        %parallel_loop3A_454 = arith.constant 14 : i32
        %parallel_loop3A_455 = arith.index_cast %parallel_loop3A_454 : i32 to index
        %parallel_loop3A_456 = arith.index_cast %parallel_loop3A_279 : i32 to index
        %parallel_loop3A_457 = tpu.vector_load %arg9[%parallel_loop3A_455, %parallel_loop3A_456] {strides = array<i32>} : memref<16x1024xf32, #tpu.memory_space<vmem>>, vector<1x16xf32>,
        %parallel_loop3A_458 = vector.shape_cast %parallel_loop3A_457 : vector<1x16xf32> to vector<16xf32>
        %parallel_loop3A_459 = vector.shape_cast %parallel_loop3A_453 : vector<16xf32> to vector<1x16xf32>
        tpu.vector_store %arg9[%parallel_loop3A_455, %parallel_loop3A_456], %parallel_loop3A_459 {strides = array<i32>} : memref<16x1024xf32, #tpu.memory_space<vmem>>, vector<1x16xf32>,
        %parallel_loop3A_460 = arith.constant 15 : i32
        %parallel_loop3A_461 = arith.index_cast %parallel_loop3A_460 : i32 to index
        %parallel_loop3A_462 = arith.index_cast %parallel_loop3A_279 : i32 to index
        %parallel_loop3A_463 = tpu.vector_load %arg7[%parallel_loop3A_461, %parallel_loop3A_462] {strides = array<i32>} : memref<16x1024xf32, #tpu.memory_space<vmem>>, vector<1x16xf32>,
        %parallel_loop3A_464 = vector.shape_cast %parallel_loop3A_463 : vector<1x16xf32> to vector<16xf32>
        %parallel_loop3A_465 = arith.addf %parallel_loop3A_464, %get3A_257 : vector<16xf32>
        %parallel_loop3A_466 = arith.constant 15 : i32
        %parallel_loop3A_467 = arith.index_cast %parallel_loop3A_466 : i32 to index
        %parallel_loop3A_468 = arith.index_cast %parallel_loop3A_279 : i32 to index
        %parallel_loop3A_469 = tpu.vector_load %arg9[%parallel_loop3A_467, %parallel_loop3A_468] {strides = array<i32>} : memref<16x1024xf32, #tpu.memory_space<vmem>>, vector<1x16xf32>,
        %parallel_loop3A_470 = vector.shape_cast %parallel_loop3A_469 : vector<1x16xf32> to vector<16xf32>
        %parallel_loop3A_471 = vector.shape_cast %parallel_loop3A_465 : vector<16xf32> to vector<1x16xf32>
        tpu.vector_store %arg9[%parallel_loop3A_467, %parallel_loop3A_468], %parallel_loop3A_471 {strides = array<i32>} : memref<16x1024xf32, #tpu.memory_space<vmem>>, vector<1x16xf32>,
      } {sc.loop_unroll_factor = 1 : i64, sc.parallel_access}
      %mul3A_261 = arith.constant 25 : i32
      %mul3A_262 = arith.muli %add3A, %mul3A_261 : i32
      %add3A_263 = arith.addi %mul3A_262, %scan3A_38 : i32
      %mul3A_264 = arith.constant 16 : i32
      %mul3A_265 = arith.muli %add3A_263, %mul3A_264 : i32
      %add3A_266 = arith.constant 12864 : i32
      %add3A_267 = arith.addi %add3A_266, %mul3A_265 : i32
      %dma_start3A_268 = arith.constant 0 : i32
      %dma_start3A_269 = tpu.memref_slice %arg5[%add3A_267, %dma_start3A_268] : memref<25664x1024xf32, #tpu.memory_space<hbm>> -> memref<16x1024xf32, #tpu.memory_space<hbm>>
      %dma_start3A_270 = arith.constant 0 : i32
      %dma_start3A_271 = tpu.memref_slice %arg5[%add3A_267, %dma_start3A_270] : memref<25664x1024xf32, #tpu.memory_space<hbm>> -> memref<16x1024xf32, #tpu.memory_space<hbm>>
      tpu.enqueue_dma source(%arg9 : memref<16x1024xf32, #tpu.memory_space<vmem>>) target(%dma_start3A_271 : memref<16x1024xf32, #tpu.memory_space<hbm>>) target_semaphore(%arg14 : memref<!tpu.dma_semaphore, #tpu.memory_space<semaphore_mem>>)
      %lt3A_272 = arith.constant 24 : i32
      %lt3A_273 = arith.cmpi slt, %scan3A_38, %lt3A_272 : i32
      %convert_element_type3A_274 = arith.extui %lt3A_273 : i1 to i32
      %cond3A_275 = arith.constant 0 : i32
      %cond3A_276 = arith.cmpi ne, %convert_element_type3A_274, %cond3A_275 : i32
      scf.if %cond3A_276 {
        %add3A_277 = arith.constant 1 : i32
        %add3A_278 = arith.addi %scan3A_38, %add3A_277 : i32
        %mul3A_279 = arith.constant 25 : i32
        %mul3A_280 = arith.muli %add3A, %mul3A_279 : i32
        %add3A_281 = arith.addi %mul3A_280, %add3A_278 : i32
        %mul3A_282 = arith.constant 16 : i32
        %mul3A_283 = arith.muli %add3A_281, %mul3A_282 : i32
        %dma_start3A_284 = arith.constant 0 : i32
        %dma_start3A_285 = tpu.memref_slice %arg3[%mul3A_283, %dma_start3A_284] : memref<12800x1024xf32, #tpu.memory_space<hbm>> -> memref<16x1024xf32, #tpu.memory_space<hbm>>
        %dma_start3A_286 = arith.constant 0 : i32
        %dma_start3A_287 = tpu.memref_slice %arg3[%mul3A_283, %dma_start3A_286] : memref<12800x1024xf32, #tpu.memory_space<hbm>> -> memref<16x1024xf32, #tpu.memory_space<hbm>>
        tpu.enqueue_dma source(%dma_start3A_287 : memref<16x1024xf32, #tpu.memory_space<hbm>>) target(%arg7 : memref<16x1024xf32, #tpu.memory_space<vmem>>) target_semaphore(%arg12 : memref<!tpu.dma_semaphore, #tpu.memory_space<semaphore_mem>>)
      } else {
      }
    }
    %scan3A_24 = arith.constant 25 : i32
    %dma_wait3A = arith.constant 0 : i32
    %dma_wait3A_25 = arith.constant 0 : i32
    %dma_wait3A_26 = tpu.memref_slice %arg5[%dma_wait3A, %dma_wait3A_25] : memref<25664x1024xf32, #tpu.memory_space<hbm>> -> memref<16x1024xf32, #tpu.memory_space<hbm>>
    %dma_wait3A_27 = arith.constant 0 : i32
    %dma_wait3A_28 = arith.constant 0 : i32
    %dma_wait3A_29 = tpu.memref_slice %arg5[%dma_wait3A_27, %dma_wait3A_28] : memref<25664x1024xf32, #tpu.memory_space<hbm>> -> memref<16x1024xf32, #tpu.memory_space<hbm>>
    tpu.wait_dma2 semaphore(%arg13 : memref<!tpu.dma_semaphore, #tpu.memory_space<semaphore_mem>>) src(%arg8 : memref<16x1024xf32, #tpu.memory_space<vmem>>) dst(%dma_wait3A_29 : memref<16x1024xf32, #tpu.memory_space<hbm>>)
    %dma_wait3A_30 = arith.constant 0 : i32
    %dma_wait3A_31 = arith.constant 0 : i32
    %dma_wait3A_32 = tpu.memref_slice %arg5[%dma_wait3A_30, %dma_wait3A_31] : memref<25664x1024xf32, #tpu.memory_space<hbm>> -> memref<16x1024xf32, #tpu.memory_space<hbm>>
    %dma_wait3A_33 = arith.constant 0 : i32
    %dma_wait3A_34 = arith.constant 0 : i32
    %dma_wait3A_35 = tpu.memref_slice %arg5[%dma_wait3A_33, %dma_wait3A_34] : memref<25664x1024xf32, #tpu.memory_space<hbm>> -> memref<16x1024xf32, #tpu.memory_space<hbm>>
    tpu.wait_dma2 semaphore(%arg14 : memref<!tpu.dma_semaphore, #tpu.memory_space<semaphore_mem>>) src(%arg9 : memref<16x1024xf32, #tpu.memory_space<vmem>>) dst(%dma_wait3A_35 : memref<16x1024xf32, #tpu.memory_space<hbm>>)
    %lt3A = arith.constant 4 : i32
    %lt3A_36 = arith.cmpi slt, %add3A, %lt3A : i32
    %convert_element_type3A = arith.extui %lt3A_36 : i1 to i32
    %cond3A = arith.constant 0 : i32
    %cond3A_37 = arith.cmpi ne, %convert_element_type3A, %cond3A : i32
    scf.if %cond3A_37 {
      %mul3A_38 = arith.constant 16 : i32
      %mul3A_39 = arith.muli %add3A, %mul3A_38 : i32
      %parallel_loop3A = arith.constant 0 : i32
      %parallel_loop3A_40 = arith.constant 64 : i32
      %parallel_loop3A_41 = arith.constant 1 : i32
      scf.for %parallel_loop3A_42 = %parallel_loop3A to %parallel_loop3A_40 step %parallel_loop3A_41  : i32 {
        %parallel_loop3A_43 = arith.constant 16 : i32
        %parallel_loop3A_44 = arith.muli %parallel_loop3A_42, %parallel_loop3A_43 : i32
        %parallel_loop3A_45 = arith.constant 128 : i32
        %parallel_loop3A_46 = arith.addi %parallel_loop3A_45, %mul3A_39 : i32
        %parallel_loop3A_47 = arith.constant 0 : i32
        %parallel_loop3A_48 = arith.addi %parallel_loop3A_46, %parallel_loop3A_47 : i32
        %parallel_loop3A_49 = arith.constant 16 : i32
        %parallel_loop3A_50 = arith.muli %parallel_loop3A_48, %parallel_loop3A_49 : i32
        %parallel_loop3A_51 = arith.index_cast %parallel_loop3A_50 : i32 to index
        %parallel_loop3A_52 = tpu.vector_load %arg10[%parallel_loop3A_51] {strides = array<i32>} : memref<3072xf32, #tpu.memory_space<vmem>>, vector<16xf32>,
        %parallel_loop3A_53 = vector.shape_cast %parallel_loop3A_52 : vector<16xf32> to vector<16xf32>
        %parallel_loop3A_54 = arith.constant 0 : i32
        %parallel_loop3A_55 = arith.index_cast %parallel_loop3A_54 : i32 to index
        %parallel_loop3A_56 = arith.index_cast %parallel_loop3A_44 : i32 to index
        %parallel_loop3A_57 = tpu.vector_load %arg8[%parallel_loop3A_55, %parallel_loop3A_56] {strides = array<i32>} : memref<16x1024xf32, #tpu.memory_space<vmem>>, vector<1x16xf32>,
        %parallel_loop3A_58 = vector.shape_cast %parallel_loop3A_57 : vector<1x16xf32> to vector<16xf32>
        %parallel_loop3A_59 = vector.shape_cast %parallel_loop3A_53 : vector<16xf32> to vector<1x16xf32>
        tpu.vector_store %arg8[%parallel_loop3A_55, %parallel_loop3A_56], %parallel_loop3A_59 {strides = array<i32>} : memref<16x1024xf32, #tpu.memory_space<vmem>>, vector<1x16xf32>,
        %parallel_loop3A_60 = arith.constant 128 : i32
        %parallel_loop3A_61 = arith.addi %parallel_loop3A_60, %mul3A_39 : i32
        %parallel_loop3A_62 = arith.constant 1 : i32
        %parallel_loop3A_63 = arith.addi %parallel_loop3A_61, %parallel_loop3A_62 : i32
        %parallel_loop3A_64 = arith.constant 16 : i32
        %parallel_loop3A_65 = arith.muli %parallel_loop3A_63, %parallel_loop3A_64 : i32
        %parallel_loop3A_66 = arith.index_cast %parallel_loop3A_65 : i32 to index
        %parallel_loop3A_67 = tpu.vector_load %arg10[%parallel_loop3A_66] {strides = array<i32>} : memref<3072xf32, #tpu.memory_space<vmem>>, vector<16xf32>,
        %parallel_loop3A_68 = vector.shape_cast %parallel_loop3A_67 : vector<16xf32> to vector<16xf32>
        %parallel_loop3A_69 = arith.constant 1 : i32
        %parallel_loop3A_70 = arith.index_cast %parallel_loop3A_69 : i32 to index
        %parallel_loop3A_71 = arith.index_cast %parallel_loop3A_44 : i32 to index
        %parallel_loop3A_72 = tpu.vector_load %arg8[%parallel_loop3A_70, %parallel_loop3A_71] {strides = array<i32>} : memref<16x1024xf32, #tpu.memory_space<vmem>>, vector<1x16xf32>,
        %parallel_loop3A_73 = vector.shape_cast %parallel_loop3A_72 : vector<1x16xf32> to vector<16xf32>
        %parallel_loop3A_74 = vector.shape_cast %parallel_loop3A_68 : vector<16xf32> to vector<1x16xf32>
        tpu.vector_store %arg8[%parallel_loop3A_70, %parallel_loop3A_71], %parallel_loop3A_74 {strides = array<i32>} : memref<16x1024xf32, #tpu.memory_space<vmem>>, vector<1x16xf32>,
        %parallel_loop3A_75 = arith.constant 128 : i32
        %parallel_loop3A_76 = arith.addi %parallel_loop3A_75, %mul3A_39 : i32
        %parallel_loop3A_77 = arith.constant 2 : i32
        %parallel_loop3A_78 = arith.addi %parallel_loop3A_76, %parallel_loop3A_77 : i32
        %parallel_loop3A_79 = arith.constant 16 : i32
        %parallel_loop3A_80 = arith.muli %parallel_loop3A_78, %parallel_loop3A_79 : i32
        %parallel_loop3A_81 = arith.index_cast %parallel_loop3A_80 : i32 to index
        %parallel_loop3A_82 = tpu.vector_load %arg10[%parallel_loop3A_81] {strides = array<i32>} : memref<3072xf32, #tpu.memory_space<vmem>>, vector<16xf32>,
        %parallel_loop3A_83 = vector.shape_cast %parallel_loop3A_82 : vector<16xf32> to vector<16xf32>
        %parallel_loop3A_84 = arith.constant 2 : i32
        %parallel_loop3A_85 = arith.index_cast %parallel_loop3A_84 : i32 to index
        %parallel_loop3A_86 = arith.index_cast %parallel_loop3A_44 : i32 to index
        %parallel_loop3A_87 = tpu.vector_load %arg8[%parallel_loop3A_85, %parallel_loop3A_86] {strides = array<i32>} : memref<16x1024xf32, #tpu.memory_space<vmem>>, vector<1x16xf32>,
        %parallel_loop3A_88 = vector.shape_cast %parallel_loop3A_87 : vector<1x16xf32> to vector<16xf32>
        %parallel_loop3A_89 = vector.shape_cast %parallel_loop3A_83 : vector<16xf32> to vector<1x16xf32>
        tpu.vector_store %arg8[%parallel_loop3A_85, %parallel_loop3A_86], %parallel_loop3A_89 {strides = array<i32>} : memref<16x1024xf32, #tpu.memory_space<vmem>>, vector<1x16xf32>,
        %parallel_loop3A_90 = arith.constant 128 : i32
        %parallel_loop3A_91 = arith.addi %parallel_loop3A_90, %mul3A_39 : i32
        %parallel_loop3A_92 = arith.constant 3 : i32
        %parallel_loop3A_93 = arith.addi %parallel_loop3A_91, %parallel_loop3A_92 : i32
        %parallel_loop3A_94 = arith.constant 16 : i32
        %parallel_loop3A_95 = arith.muli %parallel_loop3A_93, %parallel_loop3A_94 : i32
        %parallel_loop3A_96 = arith.index_cast %parallel_loop3A_95 : i32 to index
        %parallel_loop3A_97 = tpu.vector_load %arg10[%parallel_loop3A_96] {strides = array<i32>} : memref<3072xf32, #tpu.memory_space<vmem>>, vector<16xf32>,
        %parallel_loop3A_98 = vector.shape_cast %parallel_loop3A_97 : vector<16xf32> to vector<16xf32>
        %parallel_loop3A_99 = arith.constant 3 : i32
        %parallel_loop3A_100 = arith.index_cast %parallel_loop3A_99 : i32 to index
        %parallel_loop3A_101 = arith.index_cast %parallel_loop3A_44 : i32 to index
        %parallel_loop3A_102 = tpu.vector_load %arg8[%parallel_loop3A_100, %parallel_loop3A_101] {strides = array<i32>} : memref<16x1024xf32, #tpu.memory_space<vmem>>, vector<1x16xf32>,
        %parallel_loop3A_103 = vector.shape_cast %parallel_loop3A_102 : vector<1x16xf32> to vector<16xf32>
        %parallel_loop3A_104 = vector.shape_cast %parallel_loop3A_98 : vector<16xf32> to vector<1x16xf32>
        tpu.vector_store %arg8[%parallel_loop3A_100, %parallel_loop3A_101], %parallel_loop3A_104 {strides = array<i32>} : memref<16x1024xf32, #tpu.memory_space<vmem>>, vector<1x16xf32>,
        %parallel_loop3A_105 = arith.constant 128 : i32
        %parallel_loop3A_106 = arith.addi %parallel_loop3A_105, %mul3A_39 : i32
        %parallel_loop3A_107 = arith.constant 4 : i32
        %parallel_loop3A_108 = arith.addi %parallel_loop3A_106, %parallel_loop3A_107 : i32
        %parallel_loop3A_109 = arith.constant 16 : i32
        %parallel_loop3A_110 = arith.muli %parallel_loop3A_108, %parallel_loop3A_109 : i32
        %parallel_loop3A_111 = arith.index_cast %parallel_loop3A_110 : i32 to index
        %parallel_loop3A_112 = tpu.vector_load %arg10[%parallel_loop3A_111] {strides = array<i32>} : memref<3072xf32, #tpu.memory_space<vmem>>, vector<16xf32>,
        %parallel_loop3A_113 = vector.shape_cast %parallel_loop3A_112 : vector<16xf32> to vector<16xf32>
        %parallel_loop3A_114 = arith.constant 4 : i32
        %parallel_loop3A_115 = arith.index_cast %parallel_loop3A_114 : i32 to index
        %parallel_loop3A_116 = arith.index_cast %parallel_loop3A_44 : i32 to index
        %parallel_loop3A_117 = tpu.vector_load %arg8[%parallel_loop3A_115, %parallel_loop3A_116] {strides = array<i32>} : memref<16x1024xf32, #tpu.memory_space<vmem>>, vector<1x16xf32>,
        %parallel_loop3A_118 = vector.shape_cast %parallel_loop3A_117 : vector<1x16xf32> to vector<16xf32>
        %parallel_loop3A_119 = vector.shape_cast %parallel_loop3A_113 : vector<16xf32> to vector<1x16xf32>
        tpu.vector_store %arg8[%parallel_loop3A_115, %parallel_loop3A_116], %parallel_loop3A_119 {strides = array<i32>} : memref<16x1024xf32, #tpu.memory_space<vmem>>, vector<1x16xf32>,
        %parallel_loop3A_120 = arith.constant 128 : i32
        %parallel_loop3A_121 = arith.addi %parallel_loop3A_120, %mul3A_39 : i32
        %parallel_loop3A_122 = arith.constant 5 : i32
        %parallel_loop3A_123 = arith.addi %parallel_loop3A_121, %parallel_loop3A_122 : i32
        %parallel_loop3A_124 = arith.constant 16 : i32
        %parallel_loop3A_125 = arith.muli %parallel_loop3A_123, %parallel_loop3A_124 : i32
        %parallel_loop3A_126 = arith.index_cast %parallel_loop3A_125 : i32 to index
        %parallel_loop3A_127 = tpu.vector_load %arg10[%parallel_loop3A_126] {strides = array<i32>} : memref<3072xf32, #tpu.memory_space<vmem>>, vector<16xf32>,
        %parallel_loop3A_128 = vector.shape_cast %parallel_loop3A_127 : vector<16xf32> to vector<16xf32>
        %parallel_loop3A_129 = arith.constant 5 : i32
        %parallel_loop3A_130 = arith.index_cast %parallel_loop3A_129 : i32 to index
        %parallel_loop3A_131 = arith.index_cast %parallel_loop3A_44 : i32 to index
        %parallel_loop3A_132 = tpu.vector_load %arg8[%parallel_loop3A_130, %parallel_loop3A_131] {strides = array<i32>} : memref<16x1024xf32, #tpu.memory_space<vmem>>, vector<1x16xf32>,
        %parallel_loop3A_133 = vector.shape_cast %parallel_loop3A_132 : vector<1x16xf32> to vector<16xf32>
        %parallel_loop3A_134 = vector.shape_cast %parallel_loop3A_128 : vector<16xf32> to vector<1x16xf32>
        tpu.vector_store %arg8[%parallel_loop3A_130, %parallel_loop3A_131], %parallel_loop3A_134 {strides = array<i32>} : memref<16x1024xf32, #tpu.memory_space<vmem>>, vector<1x16xf32>,
        %parallel_loop3A_135 = arith.constant 128 : i32
        %parallel_loop3A_136 = arith.addi %parallel_loop3A_135, %mul3A_39 : i32
        %parallel_loop3A_137 = arith.constant 6 : i32
        %parallel_loop3A_138 = arith.addi %parallel_loop3A_136, %parallel_loop3A_137 : i32
        %parallel_loop3A_139 = arith.constant 16 : i32
        %parallel_loop3A_140 = arith.muli %parallel_loop3A_138, %parallel_loop3A_139 : i32
        %parallel_loop3A_141 = arith.index_cast %parallel_loop3A_140 : i32 to index
        %parallel_loop3A_142 = tpu.vector_load %arg10[%parallel_loop3A_141] {strides = array<i32>} : memref<3072xf32, #tpu.memory_space<vmem>>, vector<16xf32>,
        %parallel_loop3A_143 = vector.shape_cast %parallel_loop3A_142 : vector<16xf32> to vector<16xf32>
        %parallel_loop3A_144 = arith.constant 6 : i32
        %parallel_loop3A_145 = arith.index_cast %parallel_loop3A_144 : i32 to index
        %parallel_loop3A_146 = arith.index_cast %parallel_loop3A_44 : i32 to index
        %parallel_loop3A_147 = tpu.vector_load %arg8[%parallel_loop3A_145, %parallel_loop3A_146] {strides = array<i32>} : memref<16x1024xf32, #tpu.memory_space<vmem>>, vector<1x16xf32>,
        %parallel_loop3A_148 = vector.shape_cast %parallel_loop3A_147 : vector<1x16xf32> to vector<16xf32>
        %parallel_loop3A_149 = vector.shape_cast %parallel_loop3A_143 : vector<16xf32> to vector<1x16xf32>
        tpu.vector_store %arg8[%parallel_loop3A_145, %parallel_loop3A_146], %parallel_loop3A_149 {strides = array<i32>} : memref<16x1024xf32, #tpu.memory_space<vmem>>, vector<1x16xf32>,
        %parallel_loop3A_150 = arith.constant 128 : i32
        %parallel_loop3A_151 = arith.addi %parallel_loop3A_150, %mul3A_39 : i32
        %parallel_loop3A_152 = arith.constant 7 : i32
        %parallel_loop3A_153 = arith.addi %parallel_loop3A_151, %parallel_loop3A_152 : i32
        %parallel_loop3A_154 = arith.constant 16 : i32
        %parallel_loop3A_155 = arith.muli %parallel_loop3A_153, %parallel_loop3A_154 : i32
        %parallel_loop3A_156 = arith.index_cast %parallel_loop3A_155 : i32 to index
        %parallel_loop3A_157 = tpu.vector_load %arg10[%parallel_loop3A_156] {strides = array<i32>} : memref<3072xf32, #tpu.memory_space<vmem>>, vector<16xf32>,
        %parallel_loop3A_158 = vector.shape_cast %parallel_loop3A_157 : vector<16xf32> to vector<16xf32>
        %parallel_loop3A_159 = arith.constant 7 : i32
        %parallel_loop3A_160 = arith.index_cast %parallel_loop3A_159 : i32 to index
        %parallel_loop3A_161 = arith.index_cast %parallel_loop3A_44 : i32 to index
        %parallel_loop3A_162 = tpu.vector_load %arg8[%parallel_loop3A_160, %parallel_loop3A_161] {strides = array<i32>} : memref<16x1024xf32, #tpu.memory_space<vmem>>, vector<1x16xf32>,
        %parallel_loop3A_163 = vector.shape_cast %parallel_loop3A_162 : vector<1x16xf32> to vector<16xf32>
        %parallel_loop3A_164 = vector.shape_cast %parallel_loop3A_158 : vector<16xf32> to vector<1x16xf32>
        tpu.vector_store %arg8[%parallel_loop3A_160, %parallel_loop3A_161], %parallel_loop3A_164 {strides = array<i32>} : memref<16x1024xf32, #tpu.memory_space<vmem>>, vector<1x16xf32>,
        %parallel_loop3A_165 = arith.constant 128 : i32
        %parallel_loop3A_166 = arith.addi %parallel_loop3A_165, %mul3A_39 : i32
        %parallel_loop3A_167 = arith.constant 8 : i32
        %parallel_loop3A_168 = arith.addi %parallel_loop3A_166, %parallel_loop3A_167 : i32
        %parallel_loop3A_169 = arith.constant 16 : i32
        %parallel_loop3A_170 = arith.muli %parallel_loop3A_168, %parallel_loop3A_169 : i32
        %parallel_loop3A_171 = arith.index_cast %parallel_loop3A_170 : i32 to index
        %parallel_loop3A_172 = tpu.vector_load %arg10[%parallel_loop3A_171] {strides = array<i32>} : memref<3072xf32, #tpu.memory_space<vmem>>, vector<16xf32>,
        %parallel_loop3A_173 = vector.shape_cast %parallel_loop3A_172 : vector<16xf32> to vector<16xf32>
        %parallel_loop3A_174 = arith.constant 8 : i32
        %parallel_loop3A_175 = arith.index_cast %parallel_loop3A_174 : i32 to index
        %parallel_loop3A_176 = arith.index_cast %parallel_loop3A_44 : i32 to index
        %parallel_loop3A_177 = tpu.vector_load %arg8[%parallel_loop3A_175, %parallel_loop3A_176] {strides = array<i32>} : memref<16x1024xf32, #tpu.memory_space<vmem>>, vector<1x16xf32>,
        %parallel_loop3A_178 = vector.shape_cast %parallel_loop3A_177 : vector<1x16xf32> to vector<16xf32>
        %parallel_loop3A_179 = vector.shape_cast %parallel_loop3A_173 : vector<16xf32> to vector<1x16xf32>
        tpu.vector_store %arg8[%parallel_loop3A_175, %parallel_loop3A_176], %parallel_loop3A_179 {strides = array<i32>} : memref<16x1024xf32, #tpu.memory_space<vmem>>, vector<1x16xf32>,
        %parallel_loop3A_180 = arith.constant 128 : i32
        %parallel_loop3A_181 = arith.addi %parallel_loop3A_180, %mul3A_39 : i32
        %parallel_loop3A_182 = arith.constant 9 : i32
        %parallel_loop3A_183 = arith.addi %parallel_loop3A_181, %parallel_loop3A_182 : i32
        %parallel_loop3A_184 = arith.constant 16 : i32
        %parallel_loop3A_185 = arith.muli %parallel_loop3A_183, %parallel_loop3A_184 : i32
        %parallel_loop3A_186 = arith.index_cast %parallel_loop3A_185 : i32 to index
        %parallel_loop3A_187 = tpu.vector_load %arg10[%parallel_loop3A_186] {strides = array<i32>} : memref<3072xf32, #tpu.memory_space<vmem>>, vector<16xf32>,
        %parallel_loop3A_188 = vector.shape_cast %parallel_loop3A_187 : vector<16xf32> to vector<16xf32>
        %parallel_loop3A_189 = arith.constant 9 : i32
        %parallel_loop3A_190 = arith.index_cast %parallel_loop3A_189 : i32 to index
        %parallel_loop3A_191 = arith.index_cast %parallel_loop3A_44 : i32 to index
        %parallel_loop3A_192 = tpu.vector_load %arg8[%parallel_loop3A_190, %parallel_loop3A_191] {strides = array<i32>} : memref<16x1024xf32, #tpu.memory_space<vmem>>, vector<1x16xf32>,
        %parallel_loop3A_193 = vector.shape_cast %parallel_loop3A_192 : vector<1x16xf32> to vector<16xf32>
        %parallel_loop3A_194 = vector.shape_cast %parallel_loop3A_188 : vector<16xf32> to vector<1x16xf32>
        tpu.vector_store %arg8[%parallel_loop3A_190, %parallel_loop3A_191], %parallel_loop3A_194 {strides = array<i32>} : memref<16x1024xf32, #tpu.memory_space<vmem>>, vector<1x16xf32>,
        %parallel_loop3A_195 = arith.constant 128 : i32
        %parallel_loop3A_196 = arith.addi %parallel_loop3A_195, %mul3A_39 : i32
        %parallel_loop3A_197 = arith.constant 10 : i32
        %parallel_loop3A_198 = arith.addi %parallel_loop3A_196, %parallel_loop3A_197 : i32
        %parallel_loop3A_199 = arith.constant 16 : i32
        %parallel_loop3A_200 = arith.muli %parallel_loop3A_198, %parallel_loop3A_199 : i32
        %parallel_loop3A_201 = arith.index_cast %parallel_loop3A_200 : i32 to index
        %parallel_loop3A_202 = tpu.vector_load %arg10[%parallel_loop3A_201] {strides = array<i32>} : memref<3072xf32, #tpu.memory_space<vmem>>, vector<16xf32>,
        %parallel_loop3A_203 = vector.shape_cast %parallel_loop3A_202 : vector<16xf32> to vector<16xf32>
        %parallel_loop3A_204 = arith.constant 10 : i32
        %parallel_loop3A_205 = arith.index_cast %parallel_loop3A_204 : i32 to index
        %parallel_loop3A_206 = arith.index_cast %parallel_loop3A_44 : i32 to index
        %parallel_loop3A_207 = tpu.vector_load %arg8[%parallel_loop3A_205, %parallel_loop3A_206] {strides = array<i32>} : memref<16x1024xf32, #tpu.memory_space<vmem>>, vector<1x16xf32>,
        %parallel_loop3A_208 = vector.shape_cast %parallel_loop3A_207 : vector<1x16xf32> to vector<16xf32>
        %parallel_loop3A_209 = vector.shape_cast %parallel_loop3A_203 : vector<16xf32> to vector<1x16xf32>
        tpu.vector_store %arg8[%parallel_loop3A_205, %parallel_loop3A_206], %parallel_loop3A_209 {strides = array<i32>} : memref<16x1024xf32, #tpu.memory_space<vmem>>, vector<1x16xf32>,
        %parallel_loop3A_210 = arith.constant 128 : i32
        %parallel_loop3A_211 = arith.addi %parallel_loop3A_210, %mul3A_39 : i32
        %parallel_loop3A_212 = arith.constant 11 : i32
        %parallel_loop3A_213 = arith.addi %parallel_loop3A_211, %parallel_loop3A_212 : i32
        %parallel_loop3A_214 = arith.constant 16 : i32
        %parallel_loop3A_215 = arith.muli %parallel_loop3A_213, %parallel_loop3A_214 : i32
        %parallel_loop3A_216 = arith.index_cast %parallel_loop3A_215 : i32 to index
        %parallel_loop3A_217 = tpu.vector_load %arg10[%parallel_loop3A_216] {strides = array<i32>} : memref<3072xf32, #tpu.memory_space<vmem>>, vector<16xf32>,
        %parallel_loop3A_218 = vector.shape_cast %parallel_loop3A_217 : vector<16xf32> to vector<16xf32>
        %parallel_loop3A_219 = arith.constant 11 : i32
        %parallel_loop3A_220 = arith.index_cast %parallel_loop3A_219 : i32 to index
        %parallel_loop3A_221 = arith.index_cast %parallel_loop3A_44 : i32 to index
        %parallel_loop3A_222 = tpu.vector_load %arg8[%parallel_loop3A_220, %parallel_loop3A_221] {strides = array<i32>} : memref<16x1024xf32, #tpu.memory_space<vmem>>, vector<1x16xf32>,
        %parallel_loop3A_223 = vector.shape_cast %parallel_loop3A_222 : vector<1x16xf32> to vector<16xf32>
        %parallel_loop3A_224 = vector.shape_cast %parallel_loop3A_218 : vector<16xf32> to vector<1x16xf32>
        tpu.vector_store %arg8[%parallel_loop3A_220, %parallel_loop3A_221], %parallel_loop3A_224 {strides = array<i32>} : memref<16x1024xf32, #tpu.memory_space<vmem>>, vector<1x16xf32>,
        %parallel_loop3A_225 = arith.constant 128 : i32
        %parallel_loop3A_226 = arith.addi %parallel_loop3A_225, %mul3A_39 : i32
        %parallel_loop3A_227 = arith.constant 12 : i32
        %parallel_loop3A_228 = arith.addi %parallel_loop3A_226, %parallel_loop3A_227 : i32
        %parallel_loop3A_229 = arith.constant 16 : i32
        %parallel_loop3A_230 = arith.muli %parallel_loop3A_228, %parallel_loop3A_229 : i32
        %parallel_loop3A_231 = arith.index_cast %parallel_loop3A_230 : i32 to index
        %parallel_loop3A_232 = tpu.vector_load %arg10[%parallel_loop3A_231] {strides = array<i32>} : memref<3072xf32, #tpu.memory_space<vmem>>, vector<16xf32>,
        %parallel_loop3A_233 = vector.shape_cast %parallel_loop3A_232 : vector<16xf32> to vector<16xf32>
        %parallel_loop3A_234 = arith.constant 12 : i32
        %parallel_loop3A_235 = arith.index_cast %parallel_loop3A_234 : i32 to index
        %parallel_loop3A_236 = arith.index_cast %parallel_loop3A_44 : i32 to index
        %parallel_loop3A_237 = tpu.vector_load %arg8[%parallel_loop3A_235, %parallel_loop3A_236] {strides = array<i32>} : memref<16x1024xf32, #tpu.memory_space<vmem>>, vector<1x16xf32>,
        %parallel_loop3A_238 = vector.shape_cast %parallel_loop3A_237 : vector<1x16xf32> to vector<16xf32>
        %parallel_loop3A_239 = vector.shape_cast %parallel_loop3A_233 : vector<16xf32> to vector<1x16xf32>
        tpu.vector_store %arg8[%parallel_loop3A_235, %parallel_loop3A_236], %parallel_loop3A_239 {strides = array<i32>} : memref<16x1024xf32, #tpu.memory_space<vmem>>, vector<1x16xf32>,
        %parallel_loop3A_240 = arith.constant 128 : i32
        %parallel_loop3A_241 = arith.addi %parallel_loop3A_240, %mul3A_39 : i32
        %parallel_loop3A_242 = arith.constant 13 : i32
        %parallel_loop3A_243 = arith.addi %parallel_loop3A_241, %parallel_loop3A_242 : i32
        %parallel_loop3A_244 = arith.constant 16 : i32
        %parallel_loop3A_245 = arith.muli %parallel_loop3A_243, %parallel_loop3A_244 : i32
        %parallel_loop3A_246 = arith.index_cast %parallel_loop3A_245 : i32 to index
        %parallel_loop3A_247 = tpu.vector_load %arg10[%parallel_loop3A_246] {strides = array<i32>} : memref<3072xf32, #tpu.memory_space<vmem>>, vector<16xf32>,
        %parallel_loop3A_248 = vector.shape_cast %parallel_loop3A_247 : vector<16xf32> to vector<16xf32>
        %parallel_loop3A_249 = arith.constant 13 : i32
        %parallel_loop3A_250 = arith.index_cast %parallel_loop3A_249 : i32 to index
        %parallel_loop3A_251 = arith.index_cast %parallel_loop3A_44 : i32 to index
        %parallel_loop3A_252 = tpu.vector_load %arg8[%parallel_loop3A_250, %parallel_loop3A_251] {strides = array<i32>} : memref<16x1024xf32, #tpu.memory_space<vmem>>, vector<1x16xf32>,
        %parallel_loop3A_253 = vector.shape_cast %parallel_loop3A_252 : vector<1x16xf32> to vector<16xf32>
        %parallel_loop3A_254 = vector.shape_cast %parallel_loop3A_248 : vector<16xf32> to vector<1x16xf32>
        tpu.vector_store %arg8[%parallel_loop3A_250, %parallel_loop3A_251], %parallel_loop3A_254 {strides = array<i32>} : memref<16x1024xf32, #tpu.memory_space<vmem>>, vector<1x16xf32>,
        %parallel_loop3A_255 = arith.constant 128 : i32
        %parallel_loop3A_256 = arith.addi %parallel_loop3A_255, %mul3A_39 : i32
        %parallel_loop3A_257 = arith.constant 14 : i32
        %parallel_loop3A_258 = arith.addi %parallel_loop3A_256, %parallel_loop3A_257 : i32
        %parallel_loop3A_259 = arith.constant 16 : i32
        %parallel_loop3A_260 = arith.muli %parallel_loop3A_258, %parallel_loop3A_259 : i32
        %parallel_loop3A_261 = arith.index_cast %parallel_loop3A_260 : i32 to index
        %parallel_loop3A_262 = tpu.vector_load %arg10[%parallel_loop3A_261] {strides = array<i32>} : memref<3072xf32, #tpu.memory_space<vmem>>, vector<16xf32>,
        %parallel_loop3A_263 = vector.shape_cast %parallel_loop3A_262 : vector<16xf32> to vector<16xf32>
        %parallel_loop3A_264 = arith.constant 14 : i32
        %parallel_loop3A_265 = arith.index_cast %parallel_loop3A_264 : i32 to index
        %parallel_loop3A_266 = arith.index_cast %parallel_loop3A_44 : i32 to index
        %parallel_loop3A_267 = tpu.vector_load %arg8[%parallel_loop3A_265, %parallel_loop3A_266] {strides = array<i32>} : memref<16x1024xf32, #tpu.memory_space<vmem>>, vector<1x16xf32>,
        %parallel_loop3A_268 = vector.shape_cast %parallel_loop3A_267 : vector<1x16xf32> to vector<16xf32>
        %parallel_loop3A_269 = vector.shape_cast %parallel_loop3A_263 : vector<16xf32> to vector<1x16xf32>
        tpu.vector_store %arg8[%parallel_loop3A_265, %parallel_loop3A_266], %parallel_loop3A_269 {strides = array<i32>} : memref<16x1024xf32, #tpu.memory_space<vmem>>, vector<1x16xf32>,
        %parallel_loop3A_270 = arith.constant 128 : i32
        %parallel_loop3A_271 = arith.addi %parallel_loop3A_270, %mul3A_39 : i32
        %parallel_loop3A_272 = arith.constant 15 : i32
        %parallel_loop3A_273 = arith.addi %parallel_loop3A_271, %parallel_loop3A_272 : i32
        %parallel_loop3A_274 = arith.constant 16 : i32
        %parallel_loop3A_275 = arith.muli %parallel_loop3A_273, %parallel_loop3A_274 : i32
        %parallel_loop3A_276 = arith.index_cast %parallel_loop3A_275 : i32 to index
        %parallel_loop3A_277 = tpu.vector_load %arg10[%parallel_loop3A_276] {strides = array<i32>} : memref<3072xf32, #tpu.memory_space<vmem>>, vector<16xf32>,
        %parallel_loop3A_278 = vector.shape_cast %parallel_loop3A_277 : vector<16xf32> to vector<16xf32>
        %parallel_loop3A_279 = arith.constant 15 : i32
        %parallel_loop3A_280 = arith.index_cast %parallel_loop3A_279 : i32 to index
        %parallel_loop3A_281 = arith.index_cast %parallel_loop3A_44 : i32 to index
        %parallel_loop3A_282 = tpu.vector_load %arg8[%parallel_loop3A_280, %parallel_loop3A_281] {strides = array<i32>} : memref<16x1024xf32, #tpu.memory_space<vmem>>, vector<1x16xf32>,
        %parallel_loop3A_283 = vector.shape_cast %parallel_loop3A_282 : vector<1x16xf32> to vector<16xf32>
        %parallel_loop3A_284 = vector.shape_cast %parallel_loop3A_278 : vector<16xf32> to vector<1x16xf32>
        tpu.vector_store %arg8[%parallel_loop3A_280, %parallel_loop3A_281], %parallel_loop3A_284 {strides = array<i32>} : memref<16x1024xf32, #tpu.memory_space<vmem>>, vector<1x16xf32>,
      } {sc.loop_unroll_factor = 1 : i64, sc.parallel_access}
      "tpu.region"() ({
        %run_scoped3A = tpu.sem_alloc : memref<!tpu.dma_semaphore, #tpu.memory_space<semaphore_mem>>
        %dma_start3A_42 = arith.constant 0 : i32
        %dma_start3A_43 = tpu.memref_slice %arg5[%mul3A_39, %dma_start3A_42] : memref<25664x1024xf32, #tpu.memory_space<hbm>> -> memref<16x1024xf32, #tpu.memory_space<hbm>>
        %dma_start3A_44 = arith.constant 0 : i32
        %dma_start3A_45 = tpu.memref_slice %arg5[%mul3A_39, %dma_start3A_44] : memref<25664x1024xf32, #tpu.memory_space<hbm>> -> memref<16x1024xf32, #tpu.memory_space<hbm>>
        tpu.enqueue_dma source(%arg8 : memref<16x1024xf32, #tpu.memory_space<vmem>>) target(%dma_start3A_45 : memref<16x1024xf32, #tpu.memory_space<hbm>>) target_semaphore(%run_scoped3A : memref<!tpu.dma_semaphore, #tpu.memory_space<semaphore_mem>>)
        %dma_wait3A_46 = arith.constant 0 : i32
        %dma_wait3A_47 = tpu.memref_slice %arg5[%mul3A_39, %dma_wait3A_46] : memref<25664x1024xf32, #tpu.memory_space<hbm>> -> memref<16x1024xf32, #tpu.memory_space<hbm>>
        %dma_wait3A_48 = arith.constant 0 : i32
        %dma_wait3A_49 = tpu.memref_slice %arg5[%mul3A_39, %dma_wait3A_48] : memref<25664x1024xf32, #tpu.memory_space<hbm>> -> memref<16x1024xf32, #tpu.memory_space<hbm>>
        tpu.wait_dma2 semaphore(%run_scoped3A : memref<!tpu.dma_semaphore, #tpu.memory_space<semaphore_mem>>) src(%arg8 : memref<16x1024xf32, #tpu.memory_space<vmem>>) dst(%dma_wait3A_49 : memref<16x1024xf32, #tpu.memory_space<hbm>>)
        tpu.yield
      }) : () -> ()
    } else {
    }
    return
  }
}

</mosaic_0001>

<sc_bundles>
// kernel: kernel.3.cloned.1.call-start
scs
__scs_entry_jumppad:
0x0: {  	(pc) =	sbr.rel $0x88, $3  }
0x1: {  	(tag) =	ssettag $0x0;
	lr =	simm.s32 $0x1  }
0x2: {  	[smem:$0x3F9D] =	sst lr;
	_ =	strace $0xD0000000  }
0x3: {  	_ = 	snop  }
0x4: {  	_ = 	snop  }
0x5: {  	_ = 	snop  }
0x6: {  	_ = 	snop  }
0x7: {  	_ = 	snop  }
__scs_overlays_trampoline_lowered:
0x8: {  	[smem:$0x3FAC] =	sst s0  }
0x9: {  	[smem:$0x3FAD] =	sst s1  }
0xa: {  	[smem:$0x3FAE] =	sst s2  }
0xb: {  	[smem:$0x3FAF] =	sst s3  }
0xc: {  	[smem:$0x3FB0] =	sst s4  }
0xd: {  	[smem:$0x3FB1] =	sst s5  }
0xe: {  	[smem:$0x3FB2] =	sst s6  }
0xf: {  	[smem:$0x3FB3] =	sst s7  }
0x10: {  	[smem:$0x3FB4] =	sst s8  }
0x11: {  	[smem:$0x3FB5] =	sst s9;
	s0 =	simm.s32 @!p0 $0x0  }
0x12: {  	s1 =	sld [smem:$0x3F9B];
	s0 =	simm.s32 @p0 $0x1  }
0x13: {  	[smem:$0x3FB6] =	sst s0;
	s0 =	simm.s32 @!p1 $0x0  }
0x14: {  	s2 =	sld [smem:$0x3F9A];
	s0 =	simm.s32 @p1 $0x1  }
0x15: {  	[smem:$0x3FB7] =	sst s0;
	s0 =	simm.s32 @!p2 $0x0  }
0x16: {  	s3 =	sld [smem:$0x3FDB];
	s0 =	simm.s32 @p2 $0x1  }
0x17: {  	s4 =	simm.s32 $0x1BF5;
	[smem:$0x3FB9] =	sst s0  }
0x18: {  	s0 =	sld [smem:$0x3F9C];
	_ =	swait.ge [sflag:s4], $0x0  }
0x19: {  	s7 =	sld [smem:$0x3F9D]  }
0x1a: {  	s8 =	sadd.s32 $0xFFFFE003, lr  }
0x1b: {  	s9 =	sadd.s32 $0xFFFFFEF7, lr;
	s5 =	simm.s32 $0xFFFFFFFF;
	p2 =	slt.u32 s8, $0xFFFFF086  }
0x1c: {  	p1 =	slt.u32 s9, $0xF7A;
	s5 =	simm.s32 @!p2 $0x0  }
0x1d: {  	s5 =	simm.s32 @p1 $0x1;
	p0 =	seq.s32 s7, s2  }
0x1e: {  	s7 =	smul.u32 @!p0 $0xF7A, s2;
	p2 =	seq.s32 @!p0 s5, $0x0  }
0x1f: {  	s9 =	smul.u32 $0xF7A, s1;
	s8 =	simm.s32 @!p0 $0x1BF5;
	p2 =	por !p2, p0  }
0x20: {  	[sflag:s8] =	ssyncset.s32 @!p0 $0xFFFFF086;
	s6 =	sadd.s32 @!p0 s3, s7;
	s7 =	simm.s32 @!p0 $0x108  }
0x21: {  	s3 =	sadd.s32 s3, s9;
	s6 =	sadd.s32 @!p0 $0x88, s6;
	s7 =	simm.s32 @p2 $0x1082  }
0x22: {  	[simem:s7], [sflag:s8] =	dma.local @!p0 [hbm:s6], $0xF7A  }
0x23: {  	s9 =	sor.u32 $0xD0000000, s2;
	s6 =	simm.s32 $0x108;
	_ =	swait.ge @!p0 [sflag:s8], $0x0  }
0x24: {  	s3 =	sadd.s32 $0x88, s3;
	s6 =	simm.s32 @!p1 $0x1082;
	[sflag:s4] =	ssyncset.s32 $0xFFFFF086  }
0x25: {  	[simem:s6], [sflag:s4] =	dma.local [hbm:s3], $0xF7A  }
0x26: {  	[smem:$0x3F9D] =	sst s1;
	(tag) =	ssettag s2;
	_ =	strace s9  }
0x27: {  	s1 =	sld [smem:$0x3FAD]  }
0x28: {  	s2 =	sld [smem:$0x3FAE]  }
0x29: {  	s4 =	sld [smem:$0x3FB0]  }
0x2a: {  	p0 =	seq.s32 s5, $0x0;
	s5 =	sld [smem:$0x3FB1]  }
0x2b: {  	s6 =	sld [smem:$0x3FB2]  }
0x2c: {  	s7 =	sld [smem:$0x3FB3]  }
0x2d: {  	s3 =	simm.s32 $0x108;
	s8 =	sld [smem:$0x3FB4]  }
0x2e: {  	s3 =	simm.s32 @!p0 $0x1082;
	s9 =	sld [smem:$0x3FB5]  }
0x2f: {  	lr =	sadd.s32 s0, s3;
	s0 =	sld [smem:$0x3FAC]  }
0x30: {  	s3 =	sld [smem:$0x3FAF]  }
0x31: {  	[smem:$0x3FB8] =	sst s10  }
0x32: {  	s10 =	sld [smem:$0x3FB6];
	_ =	sdelay $0x3  }
0x33: {  	p0 =	seq.s32 s10, $0x1;
	s10 =	sld [smem:$0x3FB8];
	_ =	sdelay $0x3  }
0x34: {  	[smem:$0x3FB8] =	sst s10  }
0x35: {  	s10 =	sld [smem:$0x3FB7];
	_ =	sdelay $0x3  }
0x36: {  	p1 =	seq.s32 s10, $0x1;
	s10 =	sld [smem:$0x3FB8];
	_ =	sdelay $0x3  }
0x37: {  	[smem:$0x3FB8] =	sst s10  }
0x38: {  	s10 =	sld [smem:$0x3FB9]  }
0x39: {  	_ = 	snop;
	(pc) =	sbr.ind lr, $3  }
0x3a: {  	_ = 	snop  }
0x3b: {  	_ = 	snop  }
0x3c: {  	p2 =	seq.s32 s10, $0x1;
	s10 =	sld [smem:$0x3FB8]  }
0x3d: {  	_ =	shalt  }
0x3e: {  	_ =	shalt  }
0x3f: {  	_ =	shalt  }
0x40: {  	_ =	shalt  }
0x41: {  	_ =	shalt  }
0x42: {  	_ =	shalt  }
0x43: {  	_ =	shalt  }
0x44: {  	_ =	shalt  }
0x45: {  	_ =	shalt  }
0x46: {  	_ =	shalt  }
0x47: {  	_ =	shalt  }
0x48: {  	_ =	shalt  }
0x49: {  	_ =	shalt  }
0x4a: {  	_ =	shalt  }
0x4b: {  	_ =	shalt  }
0x4c: {  	_ =	shalt  }
0x4d: {  	_ =	shalt  }
0x4e: {  	_ =	shalt  }
0x4f: {  	_ =	shalt  }
0x50: {  	_ =	shalt  }
0x51: {  	_ =	shalt  }
0x52: {  	_ =	shalt  }
0x53: {  	_ =	shalt  }
0x54: {  	_ =	shalt  }
0x55: {  	_ =	shalt  }
0x56: {  	_ =	shalt  }
0x57: {  	_ =	shalt  }
0x58: {  	_ =	shalt  }
0x59: {  	_ =	shalt  }
0x5a: {  	_ =	shalt  }
0x5b: {  	_ =	shalt  }
0x5c: {  	_ =	shalt  }
0x5d: {  	_ =	shalt  }
0x5e: {  	_ =	shalt  }
0x5f: {  	_ =	shalt  }
0x60: {  	_ =	shalt  }
0x61: {  	_ =	shalt  }
0x62: {  	_ =	shalt  }
0x63: {  	_ =	shalt  }
0x64: {  	_ =	shalt  }
0x65: {  	_ =	shalt  }
0x66: {  	_ =	shalt  }
0x67: {  	_ =	shalt  }
0x68: {  	_ =	shalt  }
0x69: {  	_ =	shalt  }
0x6a: {  	_ =	shalt  }
0x6b: {  	_ =	shalt  }
0x6c: {  	_ =	shalt  }
0x6d: {  	_ =	shalt  }
0x6e: {  	_ =	shalt  }
0x6f: {  	_ =	shalt  }
0x70: {  	_ =	shalt  }
0x71: {  	_ =	shalt  }
0x72: {  	_ =	shalt  }
0x73: {  	_ =	shalt  }
0x74: {  	_ =	shalt  }
0x75: {  	_ =	shalt  }
0x76: {  	_ =	shalt  }
0x77: {  	_ =	shalt  }
0x78: {  	_ =	shalt  }
0x79: {  	_ =	shalt  }
0x7a: {  	_ =	shalt  }
0x7b: {  	_ =	shalt  }
0x7c: {  	_ =	shalt  }
0x7d: {  	_ =	shalt  }
0x7e: {  	_ =	shalt  }
0x7f: {  	_ =	shalt  }
0x80: {  	_ =	shalt  }
0x81: {  	_ =	shalt  }
0x82: {  	_ =	shalt  }
0x83: {  	_ =	shalt  }
0x84: {  	_ =	shalt  }
0x85: {  	_ =	shalt  }
0x86: {  	_ =	shalt  }
0x87: {  	_ =	shalt  }
.Lfunc_end0:
.L_simem_size_0:
called_computation_lowered:
.L_overlay_start_0:
0x88: {  	s2 =	sld [smem:$0x3FD9]  }
0x89: {  	s3 =	sld [smem:$0x3FFE];
	_ =	sdelay $0x1  }
0x8a: {  	s1 =	srdreg.scid  }
0x8b: {  	s0 =	sand.u32 $0x1, s1  }
0x8c: {  	s17 =	sshll.u32 s0, $0xA;
	s2 =	sadd.s32 s3, s2  }
0x8d: {  	s2 =	sadd.s32 s2, s17  }
0x8e: {  	[smem:$0x3FC4] =	sst s2  }
0x8f: {  	_ = 	snop  }
0x90: {  	s2 =	sld [smem:$0x3FC9]  }
0x91: {  	s18 =	sld [smem:$0x3FC8]  }
0x92: {  	s4 =	sld [smem:$0x3FD0];
	(tm) =	ssettm $0x1  }
0x93: {  	s5 =	sld [smem:$0x3FFB];
	_ =	sdelay $0x3  }
0x94: {  	_ =	strace s5  }
0x95: {  	s5 =	sld [smem:$0x3FFC];
	_ =	sdelay $0x3  }
0x96: {  	_ =	strace s5  }
0x97: {  	s5 =	sld [smem:$0x3FFD];
	_ =	sdelay $0x3  }
0x98: {  	_ =	strace s5  }
0x99: {  	_ =	strace $0x8FFFFFFF  }
0x9a: {  	s19 =	sld [smem:$0x3FDB];
	_ =	sdelay $0x1  }
0x9b: {  	s6 =	simm.s32 $_scs_section_size  }
0x9c: {  	s7 =	simm.s32 $_size__tile_overlayer_lowered;
	s8 =	simm.s32 $_tile_overlayer_lowered  }
0x9d: {  	s22 =	simm.s32 $0x1BFF;
	s21 =	sshll.u32 s8, $0x1;
	s5 =	sadd.s32 s6, s19  }
0x9e: {  	s9 =	simm.s32 $0x0;
	s20 =	sshll.u32 s7, $0x1;
	s7 =	sadd.s32 s21, s5  }
0x9f: {  	[timem:s9], [sflag:s22] =	dma.local [hbm:s7], s20  }
0xa0: {  	_ =	swait.ge [sflag:s22], s20  }
0xa1: {  	s6 =	ssub.s32 $0x0, s20;
	[sflag:s22] =	ssyncset.done $0x0  }
0xa2: {  	[sflag:s22] =	ssyncadd.s32 s6;
	_ =	sdelay $0x1  }
0xa3: {  	s23 =	simm.s32 $0x1B8B  }
0xa4: {  	_ =	swait.ge [sflag:s23], $0x1  }
0xa5: {  	[sflag:s23] =	ssyncset.done $0x0  }
0xa6: {  	s25 =	simm.s32 $0x1B8E;
	s24 =	sld [smem:$0x3FFE];
	[sflag:s23] =	ssyncadd.s32 $0xFFFFFFFF  }
0xa7: {  	s26 =	simm.s32 $execute0_lowered;
	[smem:$0x3FD2] =	sst s25  }
0xa8: {  	s7 =	sshll.u32 s26, $0x1;
	_ =	strace $0x80000046;
	[dreg:$0x1] =	wrdreg $0xFFFFFFFF  }
0xa9: {  	s28 =	simm.s32 $_size_execute0_lowered;
	s5 =	sadd.s32 s5, s7;
	[dreg:$0x0] =	wrdreg $0x0  }
0xaa: {  	s7 =	sshll.u32 s28, $0x1;
	[dreg:$0x2] =	wrdreg s5  }
0xab: {  	[dreg:$0x3] =	wrdreg s7  }
0xac: {  	[dreg:$0x4] =	wrdreg $0xC0  }
0xad: {  	_ =	task [dreg:s9], $0x5FFFF  }
0xae: {  	[dreg:$0x1] =	wrdreg $0xFFFFFFFF  }
0xaf: {  	[dreg:$0x0] =	wrdreg $0x60  }
0xb0: {  	[dreg:$0x2] =	wrdreg s2  }
0xb1: {  	[dreg:$0x3] =	wrdreg s18  }
0xb2: {  	[dreg:$0x4] =	wrdreg s24  }
0xb3: {  	[dreg:$0x5] =	wrdreg s4  }
0xb4: {  	[dreg:$0x6] =	wrdreg $0x9  }
0xb5: {  	_ =	task.clear_ibuf [dreg:s9], $0x7FFFF;
	_ =	strace $0x90000046  }
0xb6: {  	s29 =	simm.s32 $0x9;
	_ =	strace $0x80000048  }
0xb7: {  	_ =	swait.ge [sflag:s29], $0x1  }
0xb8: {  	[sflag:s29] =	ssyncadd.s32 $0xFFFFFFFF  }
0xb9: {  	_ =	strace $0x90000048  }
0xba: {  	_ =	sfence  }
0xbb: {  	s30 =	sld [smem:$0x0];
	_ =	sdelay $0x2  }
0xbc: {  	s31 =	sshll.u32 s1, $0xD;
	s1 =	sshrl.u32 s1, $0x2  }
0xbd: {  	s3 =	sand.u32 $0x4000, s31;
	s1 =	sadd.s32 s1, s30  }
0xbe: {  	s0 =	sor.u32 s3, s0;
	s1 =	sshll.u32 s1, $0x11  }
0xbf: {  	s0 =	sor.u32 s1, s0  }
0xc0: {  	s0 =	sadd.s32 $0x8F2B, s0  }
0xc1: {  	[sflag:s0] =	ssyncadd.remote.s32 $0x1  }
0xc2: {  	_ =	sfence.sel $0xFFFF  }
0xc3: {  	[dreg:$0x0] =	wrdreg $0xFFFFFFFF;
	(pc) =	sbr.abs _section_cstart, $3  }
0xc4: {  	[dreg:$0x1] =	wrdreg $0xFFFFFFFF  }
0xc5: {  	_ =	task.clear_ibuf [dreg:s9], $0x2FFFF;
	_ =	strace $0x9FFFFFFF  }
0xc6: {  	(tm) =	ssettm $0x7FFFFFFF  }
0xc7: {  	_ =	shalt  }
tec
execute0_lowered:
.L_overlay_start_1:
0x0: {  	(tag) =	ssettag $0x1  }
0x1: {  	s1 =	rddreg [dreg:$0x0]  }
0x2: {  	s2 =	rddreg [dreg:$0x1]  }
0x3: {  	s0 =	rddreg [dreg:$0x2]  }
0x4: {  	s3 =	rddreg [dreg:$0x3]  }
0x5: {  	s5 =	srdreg.scid;
	s13 =	stileid.u32;
	s4 =	simm.s32 $0x0  }
0x6: {  	s16 =	simm.s32 $0x5;
	s17 =	simm.s32 $0x4000;
	s18 =	simm.s32 $0x1  }
0x7: {  	s19 =	simm.s32 $0x8000;
	s20 =	simm.s32 $0x2;
	s21 =	simm.s32 $0x4  }
0x8: {  	s22 =	simm.s32 $0xC000;
	s23 =	simm.s32 $0x3;
	s24 =	simm.s32 $0x0  }
0x9: {  	s5 =	sand.u32 $0x1, s5;
	s6 =	sshll.u32 s13, $0x1;
	[smem:$0x7FF] =	sst s4  }
0xa: {  	s0 =	sadd.s32 $0x400, s0;
	s9 =	sadd.s32 $0x2000, s3;
	s11 =	sadd.s32 $0x192000, s3  }
0xb: {  	s7 =	sor.u32 s5, s6;
	_ =	strace $0x80000047;
	s5 =	ssub.s32 $0x2, s5  }
0xc: {  	[dreg:$0x5] =	wrdreg s0;
	s8 =	smul.u32 $0xC800, s7;
	s31 =	sshll.u32 s7, $0xB  }
.Ltmp0:
0xd: {  	s28 =	sshrl.u32 s5, $0x1;
	s3 =	sadd.s32 s3, s31;
	(pc) =	sbr.rel .LBB2_1-.Ltmp0, $4  }
0xe: {  	s6 =	smul.u32 $0x19, s7;
	s29 =	sadd.s32 s1, s8;
	[dreg:$0x8] =	wrdreg s3  }
0xf: {  	s0 =	ssub.s32 s5, s28;
	s30 =	sadd.s32 s2, s8;
	[dreg:$0x6] =	wrdreg s29  }
0x10: {  	p0 =	sgt.u32 s13, $0x1;
	s0 =	smax.u32 s0, $0x1;
	[dreg:$0x7] =	wrdreg s30  }
0x11: {  	s12 =	sshll.u32 s7, $0x8;
	s10 =	sadd.s32 $0x1, s6;
	[dreg:$0x9] =	wrdreg s0  }
.LBB2_16:
0x12: {  	s24 =	sadd.s32 $0x1, s24;
	s0 =	rddreg [dreg:$0x9]  }
0x13: {  	p1 =	sne.s32 s24, s0  }
.Ltmp1:
0x14: {  	_ = 	snop;
	(pc) =	sbr.rel @!p1 .LBB2_17-.Ltmp1, $1  }
0x15: {  	_ =	sdelay $0x3  }
.LBB2_1:
0x16: {  	s0 =	rddreg [dreg:$0x5];
	s3 =	simm.s32 $0x10000  }
0x17: {  	[tilespmem:s3], [sflag:$0x5] =	stream.linear.gather [hbm4b:s0+s4], $0xC00, $0x38;
	[tilespmem:$0x10C00] =	vst v63  }
0x18: {  	_ =	swait.ge [sflag:s16], $0xC00  }
0x19: {  	[sflag:s16] =	ssyncset.done $0x0  }
0x1a: {  	s30 =	rddreg [dreg:$0x6];
	[sflag:s16] =	ssyncadd.s32 $0xFFFFF400  }
0x1b: {  	[tilespmem:s4], [sflag:$0x1] =	stream.linear.gather [hbm4b:s30+s4], $0x4000, $0x38;
	[tilespmem:$0x10C00] =	vst v63  }
0x1c: {  	s25 =	simm.s32 $0x0;
	s31 =	rddreg [dreg:$0x7]  }
0x1d: {  	[tilespmem:s17], [sflag:$0x2] =	stream.linear.gather [hbm4b:s31+s4], $0x4000, $0x38;
	[tilespmem:$0x10C00] =	vst v63  }
.LBB2_2:
0x1e: {  	_ =	swait.ge [sflag:s18], $0x4000  }
0x1f: {  	p1 =	seq.s32 s25, $0x0;
	[sflag:s18] =	ssyncset.done $0x0  }
0x20: {  	s0 =	simm.s32 @!p1 $0x3;
	[sflag:s18] =	ssyncadd.s32 $0xFFFFC000  }
0x21: {  	s28 =	sadd.s32 s6, s25;
	_ =	swait.ge @!p1 [sflag:s0], $0x4000  }
0x22: {  	s3 =	sshll.u32 s28, $0x8;
	[sflag:s0] =	ssyncset.done @!p1 $0x0  }
0x23: {  	s26 =	sand.u32 $0x300, s3;
	[sflag:s0] =	ssyncadd.s32 @!p1 $0xFFFFC000  }
0x24: {  	v8 =	vld [tilespmem:s26+$0x10000]  }
0x25: {  	v9 =	vld [tilespmem:s26+$0x10010]  }
0x26: {  	v11 =	vld [tilespmem:s26+$0x10020]  }
0x27: {  	v12 =	vld [tilespmem:s26+$0x10030]  }
0x28: {  	v13 =	vld [tilespmem:s26+$0x10040]  }
0x29: {  	v14 =	vld [tilespmem:s26+$0x10050]  }
0x2a: {  	v15 =	vld [tilespmem:s26+$0x10060]  }
0x2b: {  	v10 =	vld [tilespmem:s26+$0x10070]  }
0x2c: {  	v7 =	vld [tilespmem:s26+$0x10080]  }
0x2d: {  	v6 =	vld [tilespmem:s26+$0x10090]  }
0x2e: {  	v5 =	vld [tilespmem:s26+$0x100A0]  }
0x2f: {  	v4 =	vld [tilespmem:s26+$0x100B0]  }
0x30: {  	s14 =	simm.s32 $0x0;
	v3 =	vld [tilespmem:s26+$0x100C0]  }
0x31: {  	s7 =	sand.u32 $0x70, s14;
	s5 =	sand.u32 $0x1C00, s14;
	v1 =	vld [tilespmem:s26+$0x100D0]  }
0x32: {  	s5 =	sor.u32 s7, s5;
	v2 =	vld [tilespmem:s26+$0x100E0]  }
0x33: {  	v16 =	vld [tilespmem:s5+$0x0]  }
0x34: {  	v17 =	vld [tilespmem:s5+$0x80]  }
0x35: {  	v18 =	vld [tilespmem:s5+$0x100]  }
0x36: {  	v19 =	vld [tilespmem:s5+$0x180]  }
0x37: {  	v20 =	vld [tilespmem:s5+$0x200]  }
0x38: {  	v21 =	vld [tilespmem:s5+$0x280];
	v16 =	vadd.f32 v16, v8  }
0x39: {  	v22 =	vld [tilespmem:s5+$0x300];
	v17 =	vadd.f32 v17, v9  }
0x3a: {  	v0 =	vld [tilespmem:s26+$0x100F0];
	[tilespmem:s5+$0x8000] =	vst v16;
	v16 =	vadd.f32 v18, v11  }
0x3b: {  	[tilespmem:s5+$0x8080] =	vst v17;
	v17 =	vadd.f32 v19, v12  }
0x3c: {  	[tilespmem:s5+$0x8100] =	vst v16;
	v16 =	vadd.f32 v20, v13  }
0x3d: {  	s13 =	simm.s32 $0x80;
	s15 =	simm.s32 $0x10;
	[tilespmem:s5+$0x8180] =	vst v17;
	v17 =	vadd.f32 v21, v14  }
0x3e: {  	s8 =	sand.u32 $0x70, s15;
	s7 =	sand.u32 $0x1C00, s13;
	[tilespmem:s5+$0x8200] =	vst v16;
	v16 =	vadd.f32 v22, v15  }
0x3f: {  	s14 =	sor.u32 s14, s14;
	s29 =	sor.u32 s8, s7;
	[tilespmem:s5+$0x8280] =	vst v17  }
0x40: {  	s0 =	sor.u32 $0x380, s14;
	[tilespmem:s5+$0x8300] =	vst v16;
	v16 =	vld [tilespmem:s29+$0x0]  }
0x41: {  	v17 =	vld [tilespmem:s0+$0x0];
	_ =	sdelay $0x1  }
0x42: {  	v18 =	vld [tilespmem:s29+$0x80]  }
0x43: {  	v19 =	vld [tilespmem:s29+$0x100]  }
0x44: {  	v20 =	vld [tilespmem:s29+$0x180];
	v16 =	vadd.f32 v16, v8  }
0x45: {  	v21 =	vld [tilespmem:s29+$0x200];
	v17 =	vadd.f32 v17, v10  }
0x46: {  	v22 =	vld [tilespmem:s29+$0x280];
	[tilespmem:s29+$0x8000] =	vst v16  }
0x47: {  	v16 =	vadd.f32 v18, v9;
	v18 =	vld [tilespmem:s29+$0x300];
	[tilespmem:s0+$0x8000] =	vst v17  }
0x48: {  	v17 =	vadd.f32 v19, v11;
	v19 =	vld [tilespmem:s5+$0x2000]  }
0x49: {  	[tilespmem:s29+$0x8080] =	vst v16;
	v16 =	vadd.f32 v20, v12;
	v20 =	vld [tilespmem:s5+$0x2080]  }
0x4a: {  	[tilespmem:s29+$0x8100] =	vst v17;
	v17 =	vadd.f32 v21, v13;
	v21 =	vld [tilespmem:s5+$0x2100]  }
0x4b: {  	[tilespmem:s29+$0x8180] =	vst v16;
	v16 =	vadd.f32 v22, v14;
	v22 =	vld [tilespmem:s5+$0x2180]  }
0x4c: {  	s3 =	simm.s32 $0x20;
	s0 =	simm.s32 $0x100;
	[tilespmem:s29+$0x8200] =	vst v17;
	v17 =	vadd.f32 v18, v15;
	v18 =	vld [tilespmem:s5+$0x2200]  }
0x4d: {  	s30 =	sand.u32 $0x70, s3;
	s31 =	sand.u32 $0x1C00, s0;
	[tilespmem:s29+$0x8280] =	vst v16;
	v16 =	vadd.f32 v19, v7;
	v19 =	vld [tilespmem:s5+$0x2280]  }
0x4e: {  	s30 =	sor.u32 s30, s31;
	s31 =	sor.u32 s15, s13;
	[tilespmem:s29+$0x8300] =	vst v17;
	v17 =	vadd.f32 v20, v6;
	v20 =	vld [tilespmem:s5+$0x2300]  }
0x4f: {  	v23 =	vld [tilespmem:s30+$0x0];
	s13 =	sor.u32 $0x380, s31;
	[tilespmem:s5+$0xA000] =	vst v16;
	v16 =	vadd.f32 v21, v5  }
0x50: {  	v21 =	vld [tilespmem:s13+$0x0];
	[tilespmem:s5+$0xA080] =	vst v17;
	v17 =	vadd.f32 v22, v4  }
0x51: {  	v22 =	vld [tilespmem:s30+$0x80];
	[tilespmem:s5+$0xA100] =	vst v16;
	v16 =	vadd.f32 v18, v3  }
0x52: {  	v18 =	vld [tilespmem:s30+$0x100];
	[tilespmem:s5+$0xA180] =	vst v17;
	v17 =	vadd.f32 v19, v1  }
0x53: {  	v19 =	vld [tilespmem:s30+$0x180];
	[tilespmem:s5+$0xA200] =	vst v16;
	v16 =	vadd.f32 v20, v2  }
0x54: {  	v20 =	vadd.f32 v23, v8;
	v23 =	vld [tilespmem:s30+$0x200];
	[tilespmem:s5+$0xA280] =	vst v17  }
0x55: {  	s15 =	sor.u32 $0x2380, s14;
	v17 =	vld [tilespmem:s30+$0x280];
	v21 =	vadd.f32 v21, v10;
	[tilespmem:s5+$0xA300] =	vst v16  }
0x56: {  	[tilespmem:s30+$0x8000] =	vst v20;
	v16 =	vadd.f32 v22, v9;
	v22 =	vld [tilespmem:s15+$0x0]  }
0x57: {  	v24 =	vld [tilespmem:s30+$0x300];
	v18 =	vadd.f32 v18, v11;
	[tilespmem:s13+$0x8000] =	vst v21  }
0x58: {  	[tilespmem:s30+$0x8080] =	vst v16;
	v16 =	vadd.f32 v19, v12;
	v21 =	vld [tilespmem:s29+$0x2000]  }
0x59: {  	v20 =	vld [tilespmem:s29+$0x2080];
	[tilespmem:s30+$0x8100] =	vst v18;
	v19 =	vadd.f32 v23, v13  }
0x5a: {  	v18 =	vld [tilespmem:s29+$0x2100];
	[tilespmem:s30+$0x8180] =	vst v16;
	v23 =	vadd.f32 v17, v14  }
0x5b: {  	v17 =	vld [tilespmem:s29+$0x2180];
	[tilespmem:s30+$0x8200] =	vst v19;
	v16 =	vadd.f32 v22, v0  }
0x5c: {  	s5 =	simm.s32 $0x180;
	s13 =	simm.s32 $0x30;
	v19 =	vld [tilespmem:s29+$0x2200];
	[tilespmem:s30+$0x8280] =	vst v23;
	v22 =	vadd.f32 v24, v15  }
.LBB2_3:
0x5d: {  	s7 =	sand.u32 $0x70, s13;
	s8 =	sand.u32 $0x1C00, s5;
	p2 =	sne.s32 s13, $0x3F0;
	v21 =	vadd.f32 v21, v7;
	v23 =	vld [tilespmem:s29+$0x2280];
	[tilespmem:s15+$0x8000] =	vst v16  }
0x5e: {  	s7 =	sor.u32 s7, s8;
	[tilespmem:s30+$0x8300] =	vst v22;
	s8 =	sor.u32 s3, s0;
	v16 =	vadd.f32 v20, v6;
	v20 =	vld [tilespmem:s29+$0x2300];
	s0 =	smov.u32 s5  }
0x5f: {  	s3 =	smov.u32 s13;
	v22 =	vld [tilespmem:s7+$0x0];
	s14 =	sor.u32 $0x380, s8;
	[tilespmem:s29+$0xA000] =	vst v21;
	v18 =	vadd.f32 v18, v5  }
0x60: {  	v21 =	vld [tilespmem:s14+$0x0];
	[tilespmem:s29+$0xA080] =	vst v16;
	v16 =	vadd.f32 v17, v4  }
0x61: {  	v17 =	vld [tilespmem:s7+$0x80];
	[tilespmem:s29+$0xA100] =	vst v18;
	v18 =	vadd.f32 v19, v3  }
0x62: {  	v19 =	vld [tilespmem:s7+$0x100];
	[tilespmem:s29+$0xA180] =	vst v16;
	v16 =	vadd.f32 v23, v1  }
0x63: {  	v23 =	vld [tilespmem:s7+$0x180];
	[tilespmem:s29+$0xA200] =	vst v18;
	v18 =	vadd.f32 v20, v2  }
0x64: {  	v20 =	vadd.f32 v22, v8;
	v22 =	vld [tilespmem:s7+$0x200];
	[tilespmem:s29+$0xA280] =	vst v16  }
0x65: {  	s15 =	sor.u32 $0x2380, s31;
	v16 =	vld [tilespmem:s7+$0x280];
	v21 =	vadd.f32 v21, v10;
	[tilespmem:s29+$0xA300] =	vst v18;
	s29 =	smov.u32 s30;
	s30 =	smov.u32 s7  }
0x66: {  	s31 =	smov.u32 s8;
	[tilespmem:s30+$0x8000] =	vst v20;
	v17 =	vadd.f32 v17, v9;
	v24 =	vld [tilespmem:s15+$0x0]  }
0x67: {  	v18 =	vadd.f32 v19, v11;
	v19 =	vld [tilespmem:s30+$0x300];
	[tilespmem:s14+$0x8000] =	vst v21  }
.Ltmp2:
0x68: {  	[tilespmem:s30+$0x8080] =	vst v17;
	v17 =	vadd.f32 v23, v12;
	v21 =	vld [tilespmem:s29+$0x2000];
	(pc) =	sbr.rel @p2 .LBB2_3-.Ltmp2, $4  }
0x69: {  	[tilespmem:s30+$0x8100] =	vst v18;
	v22 =	vadd.f32 v22, v13;
	v20 =	vld [tilespmem:s29+$0x2080]  }
0x6a: {  	[tilespmem:s30+$0x8180] =	vst v17;
	v23 =	vadd.f32 v16, v14;
	v18 =	vld [tilespmem:s29+$0x2100]  }
0x6b: {  	[tilespmem:s30+$0x8200] =	vst v22;
	v17 =	vld [tilespmem:s29+$0x2180];
	v16 =	vadd.f32 v24, v0  }
0x6c: {  	s5 =	sadd.s32 $0x80, s5;
	s13 =	sadd.s32 $0x10, s13;
	[tilespmem:s30+$0x8280] =	vst v23;
	v22 =	vadd.f32 v19, v15;
	v19 =	vld [tilespmem:s29+$0x2200]  }
0x6d: {  	s0 =	sor.u32 s3, s0  }
0x6e: {  	[tilespmem:s30+$0x8300] =	vst v22;
	s3 =	sor.u32 $0x380, s0  }
0x6f: {  	v8 =	vld [tilespmem:s3+$0x0];
	_ =	sdelay $0x4  }
0x70: {  	v8 =	vadd.f32 v8, v10  }
0x71: {  	v9 =	vadd.f32 v21, v7;
	v12 =	vld [tilespmem:s29+$0x2300]  }
0x72: {  	v45 =	vld [tilespmem:s29+$0x2280];
	v11 =	vadd.f32 v20, v6;
	[tilespmem:s3+$0x8000] =	vst v8  }
0x73: {  	[tilespmem:s29+$0xA000] =	vst v9;
	v46 =	vadd.f32 v18, v5;
	v47 =	vld [tilespmem:s30+$0x2000]  }
0x74: {  	[tilespmem:s29+$0xA080] =	vst v11;
	v48 =	vadd.f32 v17, v4;
	v13 =	vld [tilespmem:s30+$0x2080]  }
0x75: {  	[tilespmem:s29+$0xA100] =	vst v46;
	v49 =	vadd.f32 v19, v3;
	v14 =	vld [tilespmem:s30+$0x2100]  }
0x76: {  	[tilespmem:s29+$0xA180] =	vst v48;
	v51 =	vadd.f32 v12, v2;
	v50 =	vld [tilespmem:s30+$0x2180]  }
0x77: {  	[tilespmem:s29+$0xA200] =	vst v49;
	v10 =	vadd.f32 v45, v1;
	v52 =	vld [tilespmem:s30+$0x2200]  }
0x78: {  	[tilespmem:s29+$0xA300] =	vst v51;
	v54 =	vld [tilespmem:s30+$0x2280];
	v53 =	vadd.f32 v47, v7  }
0x79: {  	[tilespmem:s29+$0xA280] =	vst v10;
	v56 =	vld [tilespmem:s30+$0x2300];
	v55 =	vadd.f32 v13, v6  }
0x7a: {  	v57 =	vadd.f32 v14, v5;
	[tilespmem:s30+$0xA000] =	vst v53  }
0x7b: {  	v58 =	vadd.f32 v50, v4;
	[tilespmem:s30+$0xA080] =	vst v55  }
0x7c: {  	v59 =	vadd.f32 v52, v3;
	[tilespmem:s30+$0xA100] =	vst v57  }
0x7d: {  	v60 =	vadd.f32 v54, v1;
	[tilespmem:s30+$0xA180] =	vst v58  }
0x7e: {  	v61 =	vadd.f32 v56, v2;
	[tilespmem:s30+$0xA200] =	vst v59  }
0x7f: {  	s29 =	sor.u32 $0x2380, s31;
	[tilespmem:s30+$0xA280] =	vst v60  }
0x80: {  	s0 =	sor.u32 $0x2380, s0;
	v62 =	vld [tilespmem:s29+$0x0];
	[tilespmem:s30+$0xA300] =	vst v61  }
0x81: {  	v2 =	vld [tilespmem:s0+$0x0];
	_ =	sdelay $0x2  }
0x82: {  	p2 =	sne.s32 s25, $0x18  }
.Ltmp3:
0x83: {  	v1 =	vadd.f32 v62, v0;
	(pc) =	sbr.rel @p2 .LBB2_6-.Ltmp3, $4  }
0x84: {  	[tilespmem:s15+$0x8000] =	vst v16;
	v63 =	vadd.f32 v2, v0  }
0x85: {  	s28 =	sshll.u32 s28, $0xB;
	[tilespmem:s29+$0x8000] =	vst v1  }
0x86: {  	s31 =	sadd.s32 s28, s9;
	[tilespmem:s0+$0x8000] =	vst v63  }
0x87: {  	[hbm4b:s31+s4] =	stream.linear.scatter [tilespmem:s19], [sflag:$0x3], $0x4000, $0x38;
	[tilespmem:$0x10C00] =	vst v63  }
.Ltmp4:
0x88: {  	(pc) =	sbr.rel .LBB2_7-.Ltmp4, $4  }
0x89: {  	_ = 	snop  }
0x8a: {  	_ =	swait.ge [sflag:s20], $0x4000  }
0x8b: {  	[sflag:s20] =	ssyncset.done $0x0  }
0x8c: {  	[sflag:s20] =	ssyncadd.s32 $0xFFFFC000  }
.LBB2_6:
0x8d: {  	s0 =	sadd.s32 s25, s10  }
0x8e: {  	s0 =	sshll.u32 s0, $0xB  }
0x8f: {  	s0 =	sand.u32 $0x1FFFF800, s0  }
.Ltmp5:
0x90: {  	s0 =	sadd.s32 s1, s0;
	(pc) =	sbr.rel @p1 .LBB2_8-.Ltmp5, $4  }
0x91: {  	[tilespmem:s4], [sflag:$0x1] =	stream.linear.gather [hbm4b:s0+s4], $0x4000, $0x38;
	[tilespmem:$0x10C00] =	vst v63  }
0x92: {  	_ =	swait.ge [sflag:s20], $0x4000  }
0x93: {  	[sflag:s20] =	ssyncset.done $0x0  }
0x94: {  	[sflag:s20] =	ssyncadd.s32 $0xFFFFC000  }
.LBB2_7:
0x95: {  	_ =	swait.ge [sflag:s21], $0x4000  }
0x96: {  	[sflag:s21] =	ssyncset.done $0x0  }
0x97: {  	[sflag:s21] =	ssyncadd.s32 $0xFFFFC000  }
.LBB2_8:
0x98: {  	v8 =	vld [tilespmem:s26+$0x10400]  }
0x99: {  	v9 =	vld [tilespmem:s26+$0x10410]  }
0x9a: {  	v11 =	vld [tilespmem:s26+$0x10420]  }
0x9b: {  	v12 =	vld [tilespmem:s26+$0x10430]  }
0x9c: {  	v13 =	vld [tilespmem:s26+$0x10440]  }
0x9d: {  	v14 =	vld [tilespmem:s26+$0x10450]  }
0x9e: {  	v15 =	vld [tilespmem:s26+$0x10460]  }
0x9f: {  	v10 =	vld [tilespmem:s26+$0x10470]  }
0xa0: {  	v7 =	vld [tilespmem:s26+$0x10480]  }
0xa1: {  	v6 =	vld [tilespmem:s26+$0x10490]  }
0xa2: {  	v5 =	vld [tilespmem:s26+$0x104A0]  }
0xa3: {  	v4 =	vld [tilespmem:s26+$0x104B0]  }
0xa4: {  	v3 =	vld [tilespmem:s26+$0x104C0];
	s0 =	simm.s32 $0x0  }
0xa5: {  	v1 =	vld [tilespmem:s26+$0x104D0];
	s3 =	sand.u32 $0x70, s0;
	s5 =	sand.u32 $0x1C00, s0  }
0xa6: {  	v2 =	vld [tilespmem:s26+$0x104E0];
	s5 =	sor.u32 s3, s5  }
0xa7: {  	v16 =	vld [tilespmem:s5+$0x4000]  }
0xa8: {  	v17 =	vld [tilespmem:s5+$0x4080]  }
0xa9: {  	v18 =	vld [tilespmem:s5+$0x4100]  }
0xaa: {  	v19 =	vld [tilespmem:s5+$0x4180]  }
0xab: {  	v20 =	vld [tilespmem:s5+$0x4200]  }
0xac: {  	v21 =	vld [tilespmem:s5+$0x4280];
	v16 =	vadd.f32 v16, v8  }
0xad: {  	v22 =	vld [tilespmem:s5+$0x4300];
	v17 =	vadd.f32 v17, v9  }
0xae: {  	v0 =	vld [tilespmem:s26+$0x104F0];
	[tilespmem:s5+$0xC000] =	vst v16;
	v16 =	vadd.f32 v18, v11  }
0xaf: {  	[tilespmem:s5+$0xC080] =	vst v17;
	v17 =	vadd.f32 v19, v12  }
0xb0: {  	[tilespmem:s5+$0xC100] =	vst v16;
	v16 =	vadd.f32 v20, v13  }
0xb1: {  	s8 =	simm.s32 $0x80;
	s13 =	simm.s32 $0x10;
	[tilespmem:s5+$0xC180] =	vst v17;
	v17 =	vadd.f32 v21, v14  }
0xb2: {  	s26 =	sand.u32 $0x70, s13;
	s7 =	sand.u32 $0x1C00, s8;
	[tilespmem:s5+$0xC200] =	vst v16;
	v16 =	vadd.f32 v22, v15  }
0xb3: {  	s31 =	sor.u32 s0, s0;
	s26 =	sor.u32 s26, s7;
	[tilespmem:s5+$0xC280] =	vst v17  }
0xb4: {  	s0 =	sor.u32 $0x380, s31;
	[tilespmem:s5+$0xC300] =	vst v16;
	v16 =	vld [tilespmem:s26+$0x4000]  }
0xb5: {  	v17 =	vld [tilespmem:s0+$0x4000];
	_ =	sdelay $0x1  }
0xb6: {  	v18 =	vld [tilespmem:s26+$0x4080]  }
0xb7: {  	v19 =	vld [tilespmem:s26+$0x4100]  }
0xb8: {  	v20 =	vld [tilespmem:s26+$0x4180];
	v16 =	vadd.f32 v16, v8  }
0xb9: {  	v21 =	vld [tilespmem:s26+$0x4200];
	v17 =	vadd.f32 v17, v10  }
0xba: {  	v22 =	vld [tilespmem:s26+$0x4280];
	[tilespmem:s26+$0xC000] =	vst v16  }
0xbb: {  	v16 =	vadd.f32 v18, v9;
	v18 =	vld [tilespmem:s26+$0x4300];
	[tilespmem:s0+$0xC000] =	vst v17  }
0xbc: {  	v17 =	vadd.f32 v19, v11;
	v19 =	vld [tilespmem:s5+$0x6000]  }
0xbd: {  	[tilespmem:s26+$0xC080] =	vst v16;
	v16 =	vadd.f32 v20, v12;
	v20 =	vld [tilespmem:s5+$0x6080]  }
0xbe: {  	[tilespmem:s26+$0xC100] =	vst v17;
	v17 =	vadd.f32 v21, v13;
	v21 =	vld [tilespmem:s5+$0x6100]  }
0xbf: {  	[tilespmem:s26+$0xC180] =	vst v16;
	v16 =	vadd.f32 v22, v14;
	v22 =	vld [tilespmem:s5+$0x6180]  }
0xc0: {  	s3 =	simm.s32 $0x20;
	s0 =	simm.s32 $0x100;
	[tilespmem:s26+$0xC200] =	vst v17;
	v17 =	vadd.f32 v18, v15;
	v18 =	vld [tilespmem:s5+$0x6200]  }
0xc1: {  	s14 =	sand.u32 $0x70, s3;
	s15 =	sand.u32 $0x1C00, s0;
	[tilespmem:s26+$0xC280] =	vst v16;
	v16 =	vadd.f32 v19, v7;
	v19 =	vld [tilespmem:s5+$0x6280]  }
0xc2: {  	s30 =	sor.u32 s13, s8;
	s29 =	sor.u32 s14, s15;
	[tilespmem:s26+$0xC300] =	vst v17;
	v17 =	vadd.f32 v20, v6;
	v20 =	vld [tilespmem:s5+$0x6300]  }
0xc3: {  	s8 =	sor.u32 $0x380, s30;
	v23 =	vld [tilespmem:s29+$0x4000];
	[tilespmem:s5+$0xE000] =	vst v16;
	v16 =	vadd.f32 v21, v5  }
0xc4: {  	v21 =	vld [tilespmem:s8+$0x4000];
	[tilespmem:s5+$0xE080] =	vst v17;
	v17 =	vadd.f32 v22, v4  }
0xc5: {  	v22 =	vld [tilespmem:s29+$0x4080];
	[tilespmem:s5+$0xE100] =	vst v16;
	v16 =	vadd.f32 v18, v3  }
0xc6: {  	v18 =	vld [tilespmem:s29+$0x4100];
	[tilespmem:s5+$0xE180] =	vst v17;
	v17 =	vadd.f32 v19, v1  }
0xc7: {  	v19 =	vld [tilespmem:s29+$0x4180];
	[tilespmem:s5+$0xE200] =	vst v16;
	v16 =	vadd.f32 v20, v2  }
0xc8: {  	v20 =	vadd.f32 v23, v8;
	v23 =	vld [tilespmem:s29+$0x4200];
	[tilespmem:s5+$0xE280] =	vst v17  }
0xc9: {  	s15 =	sor.u32 $0x2380, s31;
	v17 =	vld [tilespmem:s29+$0x4280];
	v21 =	vadd.f32 v21, v10;
	[tilespmem:s5+$0xE300] =	vst v16  }
0xca: {  	[tilespmem:s29+$0xC000] =	vst v20;
	v16 =	vadd.f32 v22, v9;
	v22 =	vld [tilespmem:s15+$0x4000]  }
0xcb: {  	v24 =	vld [tilespmem:s29+$0x4300];
	v18 =	vadd.f32 v18, v11;
	[tilespmem:s8+$0xC000] =	vst v21  }
0xcc: {  	[tilespmem:s29+$0xC080] =	vst v16;
	v16 =	vadd.f32 v19, v12;
	v21 =	vld [tilespmem:s26+$0x6000]  }
0xcd: {  	v20 =	vld [tilespmem:s26+$0x6080];
	[tilespmem:s29+$0xC100] =	vst v18;
	v19 =	vadd.f32 v23, v13  }
0xce: {  	v18 =	vld [tilespmem:s26+$0x6100];
	[tilespmem:s29+$0xC180] =	vst v16;
	v23 =	vadd.f32 v17, v14  }
0xcf: {  	v17 =	vld [tilespmem:s26+$0x6180];
	[tilespmem:s29+$0xC200] =	vst v19;
	v16 =	vadd.f32 v22, v0  }
0xd0: {  	s13 =	simm.s32 $0x30;
	s5 =	simm.s32 $0x180;
	v19 =	vld [tilespmem:s26+$0x6200];
	[tilespmem:s29+$0xC280] =	vst v23;
	v22 =	vadd.f32 v24, v15  }
.LBB2_9:
0xd1: {  	s7 =	sand.u32 $0x70, s13;
	s8 =	sand.u32 $0x1C00, s5;
	p1 =	sne.s32 s13, $0x3F0;
	v21 =	vadd.f32 v21, v7;
	v23 =	vld [tilespmem:s26+$0x6280];
	[tilespmem:s15+$0xC000] =	vst v16  }
0xd2: {  	s7 =	sor.u32 s7, s8;
	[tilespmem:s29+$0xC300] =	vst v22;
	s8 =	sor.u32 s3, s0;
	v16 =	vadd.f32 v20, v6;
	v20 =	vld [tilespmem:s26+$0x6300];
	s0 =	smov.u32 s5  }
0xd3: {  	s3 =	smov.u32 s13;
	v22 =	vld [tilespmem:s7+$0x4000];
	s14 =	sor.u32 $0x380, s8;
	[tilespmem:s26+$0xE000] =	vst v21;
	v18 =	vadd.f32 v18, v5  }
0xd4: {  	v21 =	vld [tilespmem:s14+$0x4000];
	[tilespmem:s26+$0xE080] =	vst v16;
	v16 =	vadd.f32 v17, v4  }
0xd5: {  	v17 =	vld [tilespmem:s7+$0x4080];
	[tilespmem:s26+$0xE100] =	vst v18;
	v18 =	vadd.f32 v19, v3  }
0xd6: {  	v19 =	vld [tilespmem:s7+$0x4100];
	[tilespmem:s26+$0xE180] =	vst v16;
	v16 =	vadd.f32 v23, v1  }
0xd7: {  	v23 =	vld [tilespmem:s7+$0x4180];
	[tilespmem:s26+$0xE200] =	vst v18;
	v18 =	vadd.f32 v20, v2  }
0xd8: {  	v20 =	vadd.f32 v22, v8;
	v22 =	vld [tilespmem:s7+$0x4200];
	[tilespmem:s26+$0xE280] =	vst v16  }
0xd9: {  	s15 =	sor.u32 $0x2380, s30;
	v16 =	vld [tilespmem:s7+$0x4280];
	v21 =	vadd.f32 v21, v10;
	[tilespmem:s26+$0xE300] =	vst v18;
	s26 =	smov.u32 s29;
	s29 =	smov.u32 s7  }
0xda: {  	s30 =	smov.u32 s8;
	[tilespmem:s29+$0xC000] =	vst v20;
	v17 =	vadd.f32 v17, v9;
	v24 =	vld [tilespmem:s15+$0x4000]  }
0xdb: {  	v18 =	vadd.f32 v19, v11;
	v19 =	vld [tilespmem:s29+$0x4300];
	[tilespmem:s14+$0xC000] =	vst v21  }
.Ltmp6:
0xdc: {  	[tilespmem:s29+$0xC080] =	vst v17;
	v17 =	vadd.f32 v23, v12;
	v21 =	vld [tilespmem:s26+$0x6000];
	(pc) =	sbr.rel @p1 .LBB2_9-.Ltmp6, $4  }
0xdd: {  	[tilespmem:s29+$0xC100] =	vst v18;
	v22 =	vadd.f32 v22, v13;
	v20 =	vld [tilespmem:s26+$0x6080]  }
0xde: {  	[tilespmem:s29+$0xC180] =	vst v17;
	v23 =	vadd.f32 v16, v14;
	v18 =	vld [tilespmem:s26+$0x6100]  }
0xdf: {  	[tilespmem:s29+$0xC200] =	vst v22;
	v17 =	vld [tilespmem:s26+$0x6180];
	v16 =	vadd.f32 v24, v0  }
0xe0: {  	s5 =	sadd.s32 $0x80, s5;
	s13 =	sadd.s32 $0x10, s13;
	[tilespmem:s29+$0xC280] =	vst v23;
	v22 =	vadd.f32 v19, v15;
	v19 =	vld [tilespmem:s26+$0x6200]  }
0xe1: {  	s0 =	sor.u32 s3, s0  }
0xe2: {  	[tilespmem:s29+$0xC300] =	vst v22;
	s3 =	sor.u32 $0x380, s0  }
0xe3: {  	v8 =	vld [tilespmem:s3+$0x4000];
	_ =	sdelay $0x4  }
0xe4: {  	v8 =	vadd.f32 v8, v10  }
0xe5: {  	v9 =	vadd.f32 v21, v7;
	v12 =	vld [tilespmem:s26+$0x6300]  }
0xe6: {  	v45 =	vld [tilespmem:s26+$0x6280];
	v11 =	vadd.f32 v20, v6;
	[tilespmem:s3+$0xC000] =	vst v8  }
0xe7: {  	[tilespmem:s26+$0xE000] =	vst v9;
	v46 =	vadd.f32 v18, v5;
	v47 =	vld [tilespmem:s29+$0x6000]  }
0xe8: {  	[tilespmem:s26+$0xE080] =	vst v11;
	v48 =	vadd.f32 v17, v4;
	v13 =	vld [tilespmem:s29+$0x6080]  }
0xe9: {  	[tilespmem:s26+$0xE100] =	vst v46;
	v49 =	vadd.f32 v19, v3;
	v14 =	vld [tilespmem:s29+$0x6100]  }
0xea: {  	[tilespmem:s26+$0xE180] =	vst v48;
	v51 =	vadd.f32 v12, v2;
	v50 =	vld [tilespmem:s29+$0x6180]  }
0xeb: {  	[tilespmem:s26+$0xE200] =	vst v49;
	v10 =	vadd.f32 v45, v1;
	v52 =	vld [tilespmem:s29+$0x6200]  }
0xec: {  	[tilespmem:s26+$0xE300] =	vst v51;
	v54 =	vld [tilespmem:s29+$0x6280];
	v53 =	vadd.f32 v47, v7  }
0xed: {  	[tilespmem:s26+$0xE280] =	vst v10;
	v56 =	vld [tilespmem:s29+$0x6300];
	v55 =	vadd.f32 v13, v6  }
0xee: {  	v57 =	vadd.f32 v14, v5;
	[tilespmem:s29+$0xE000] =	vst v53  }
0xef: {  	v58 =	vadd.f32 v50, v4;
	[tilespmem:s29+$0xE080] =	vst v55  }
0xf0: {  	v59 =	vadd.f32 v52, v3;
	[tilespmem:s29+$0xE100] =	vst v57  }
0xf1: {  	v60 =	vadd.f32 v54, v1;
	[tilespmem:s29+$0xE180] =	vst v58  }
0xf2: {  	v61 =	vadd.f32 v56, v2;
	[tilespmem:s29+$0xE200] =	vst v59  }
0xf3: {  	s30 =	sor.u32 $0x2380, s30;
	[tilespmem:s29+$0xE280] =	vst v60  }
0xf4: {  	s0 =	sor.u32 $0x2380, s0;
	v62 =	vld [tilespmem:s30+$0x4000];
	[tilespmem:s29+$0xE300] =	vst v61  }
0xf5: {  	v2 =	vld [tilespmem:s0+$0x4000];
	_ =	sdelay $0x2  }
0xf6: {  	p1 =	seq.s32 s25, $0x18  }
.Ltmp7:
0xf7: {  	v1 =	vadd.f32 v62, v0;
	(pc) =	sbr.rel @p1 .LBB2_12-.Ltmp7, $4  }
0xf8: {  	[tilespmem:s15+$0xC000] =	vst v16;
	v63 =	vadd.f32 v2, v0  }
0xf9: {  	[tilespmem:s30+$0xC000] =	vst v1  }
0xfa: {  	s31 =	sadd.s32 s28, s11;
	[tilespmem:s0+$0xC000] =	vst v63  }
0xfb: {  	[hbm4b:s31+s4] =	stream.linear.scatter [tilespmem:s22], [sflag:$0x4], $0x4000, $0x38;
	[tilespmem:$0x10C00] =	vst v63  }
.Ltmp8:
0xfc: {  	s0 =	sadd.s32 s25, s10;
	(pc) =	sbr.rel .LBB2_2-.Ltmp8, $4  }
0xfd: {  	s0 =	sshll.u32 s0, $0xB  }
0xfe: {  	s0 =	sand.u32 $0x1FFFF800, s0  }
0xff: {  	s25 =	sadd.s32 $0x1, s25;
	s0 =	sadd.s32 s2, s0  }
0x100: {  	[tilespmem:s17], [sflag:$0x2] =	stream.linear.gather [hbm4b:s0+s4], $0x4000, $0x38;
	[tilespmem:$0x10C00] =	vst v63  }
.LBB2_12:
0x101: {  	_ =	swait.ge [sflag:s23], $0x4000  }
.Ltmp9:
0x102: {  	[sflag:s23] =	ssyncset.done $0x0;
	(pc) =	sbr.rel @p0 .LBB2_16-.Ltmp9, $4  }
0x103: {  	[sflag:s23] =	ssyncadd.s32 $0xFFFFC000  }
0x104: {  	_ =	swait.ge [sflag:s21], $0x4000  }
0x105: {  	[sflag:s21] =	ssyncset.done $0x0  }
0x106: {  	s0 =	simm.s32 $0x0;
	[sflag:s21] =	ssyncadd.s32 $0xFFFFC000  }
0x107: {  	v0 =	vld [tilespmem:s12+$0x10800];
	_ =	sdelay $0x2  }
0x108: {  	s3 =	sand.u32 $0x70, s0;
	s5 =	sand.u32 $0x1C00, s0  }
0x109: {  	s25 =	sor.u32 s3, s5  }
0x10a: {  	[tilespmem:s25+$0x8000] =	vst v0  }
0x10b: {  	v0 =	vld [tilespmem:s12+$0x10810];
	_ =	sdelay $0x4  }
0x10c: {  	[tilespmem:s25+$0x8080] =	vst v0  }
0x10d: {  	v0 =	vld [tilespmem:s12+$0x10820];
	_ =	sdelay $0x3  }
0x10e: {  	v1 =	vld [tilespmem:s12+$0x10800]  }
0x10f: {  	[tilespmem:s25+$0x8100] =	vst v0  }
0x110: {  	s7 =	simm.s32 $0x80;
	s3 =	simm.s32 $0x10;
	v0 =	vld [tilespmem:s12+$0x10830]  }
0x111: {  	s8 =	sand.u32 $0x1C00, s7;
	s14 =	sand.u32 $0x70, s3  }
0x112: {  	s26 =	sor.u32 s14, s8  }
0x113: {  	[tilespmem:s26+$0x8000] =	vst v1  }
0x114: {  	v1 =	vld [tilespmem:s12+$0x10810]  }
0x115: {  	[tilespmem:s25+$0x8180] =	vst v0  }
0x116: {  	v0 =	vld [tilespmem:s12+$0x10840];
	_ =	sdelay $0x2  }
0x117: {  	[tilespmem:s26+$0x8080] =	vst v1  }
0x118: {  	v1 =	vld [tilespmem:s12+$0x10820]  }
0x119: {  	[tilespmem:s25+$0x8200] =	vst v0  }
0x11a: {  	v0 =	vld [tilespmem:s12+$0x10850];
	_ =	sdelay $0x1  }
0x11b: {  	v2 =	vld [tilespmem:s12+$0x10800]  }
0x11c: {  	[tilespmem:s26+$0x8100] =	vst v1  }
0x11d: {  	s13 =	simm.s32 $0x100;
	s5 =	simm.s32 $0x20;
	v1 =	vld [tilespmem:s12+$0x10830]  }
0x11e: {  	s15 =	sand.u32 $0x70, s5;
	s14 =	sand.u32 $0x1C00, s13;
	[tilespmem:s25+$0x8280] =	vst v0  }
0x11f: {  	s28 =	sor.u32 s15, s14;
	v0 =	vld [tilespmem:s12+$0x10860]  }
0x120: {  	[tilespmem:s28+$0x8000] =	vst v2  }
0x121: {  	v2 =	vld [tilespmem:s12+$0x10810]  }
0x122: {  	[tilespmem:s26+$0x8180] =	vst v1  }
0x123: {  	v1 =	vld [tilespmem:s12+$0x10840]  }
0x124: {  	[tilespmem:s25+$0x8300] =	vst v0  }
0x125: {  	v0 =	vld [tilespmem:s12+$0x10870]  }
0x126: {  	[tilespmem:s28+$0x8080] =	vst v2  }
0x127: {  	v2 =	vld [tilespmem:s12+$0x10820]  }
0x128: {  	s8 =	sor.u32 s0, s0;
	[tilespmem:s26+$0x8200] =	vst v1  }
0x129: {  	s0 =	sor.u32 $0x380, s8;
	v1 =	vld [tilespmem:s12+$0x10850]  }
0x12a: {  	[tilespmem:s0+$0x8000] =	vst v0;
	v0 =	vld [tilespmem:s12+$0x10800]  }
0x12b: {  	v3 =	vld [tilespmem:s12+$0x10880]  }
0x12c: {  	s31 =	simm.s32 $0x180;
	[tilespmem:s28+$0x8100] =	vst v2;
	s0 =	simm.s32 $0x30  }
0x12d: {  	s15 =	sand.u32 $0x1C00, s31;
	v2 =	vld [tilespmem:s12+$0x10830];
	s14 =	sand.u32 $0x70, s0  }
0x12e: {  	[tilespmem:s26+$0x8280] =	vst v1;
	s29 =	sor.u32 s14, s15  }
0x12f: {  	v1 =	vld [tilespmem:s12+$0x10860];
	[tilespmem:s29+$0x8000] =	vst v0  }
0x130: {  	v0 =	vld [tilespmem:s12+$0x10810];
	[tilespmem:s25+$0xA000] =	vst v3  }
0x131: {  	v3 =	vld [tilespmem:s12+$0x10890]  }
0x132: {  	[tilespmem:s28+$0x8180] =	vst v2  }
0x133: {  	v2 =	vld [tilespmem:s12+$0x10840]  }
0x134: {  	[tilespmem:s26+$0x8300] =	vst v1  }
0x135: {  	v1 =	vld [tilespmem:s12+$0x10870];
	[tilespmem:s29+$0x8080] =	vst v0  }
0x136: {  	v0 =	vld [tilespmem:s12+$0x10820];
	[tilespmem:s25+$0xA080] =	vst v3  }
0x137: {  	v3 =	vld [tilespmem:s12+$0x108A0]  }
0x138: {  	s3 =	sor.u32 s7, s3;
	[tilespmem:s28+$0x8200] =	vst v2  }
0x139: {  	s3 =	sor.u32 $0x380, s3;
	v2 =	vld [tilespmem:s12+$0x10850]  }
0x13a: {  	[tilespmem:s3+$0x8000] =	vst v1;
	v1 =	vld [tilespmem:s12+$0x10800]  }
0x13b: {  	[tilespmem:s29+$0x8100] =	vst v0;
	v0 =	vld [tilespmem:s12+$0x10880]  }
0x13c: {  	s3 =	simm.s32 $0x40;
	s15 =	simm.s32 $0x200;
	v4 =	vld [tilespmem:s12+$0x10830];
	[tilespmem:s25+$0xA100] =	vst v3  }
0x13d: {  	s8 =	sand.u32 $0x70, s3;
	s14 =	sand.u32 $0x1C00, s15;
	v3 =	vld [tilespmem:s12+$0x108B0]  }
0x13e: {  	[tilespmem:s28+$0x8280] =	vst v2;
	s30 =	sor.u32 s8, s14  }
0x13f: {  	v2 =	vld [tilespmem:s12+$0x10860];
	[tilespmem:s30+$0x8000] =	vst v1  }
0x140: {  	v1 =	vld [tilespmem:s12+$0x10810];
	[tilespmem:s26+$0xA000] =	vst v0  }
0x141: {  	[tilespmem:s29+$0x8180] =	vst v4;
	v0 =	vld [tilespmem:s12+$0x10890]  }
0x142: {  	v4 =	vld [tilespmem:s12+$0x10840];
	[tilespmem:s25+$0xA180] =	vst v3  }
0x143: {  	v5 =	vld [tilespmem:s12+$0x108C0]  }
0x144: {  	[tilespmem:s28+$0x8300] =	vst v2  }
0x145: {  	v2 =	vld [tilespmem:s12+$0x10870];
	[tilespmem:s30+$0x8080] =	vst v1  }
0x146: {  	v6 =	vld [tilespmem:s12+$0x10820];
	[tilespmem:s26+$0xA080] =	vst v0  }
0x147: {  	[tilespmem:s29+$0x8200] =	vst v4;
	v1 =	vld [tilespmem:s12+$0x108A0]  }
0x148: {  	s5 =	sor.u32 s13, s5;
	v3 =	vld [tilespmem:s12+$0x10850];
	[tilespmem:s25+$0xA200] =	vst v5  }
0x149: {  	s5 =	sor.u32 $0x380, s5;
	v0 =	vld [tilespmem:s12+$0x108D0]  }
0x14a: {  	[tilespmem:s5+$0x8000] =	vst v2;
	v4 =	vld [tilespmem:s12+$0x10800]  }
0x14b: {  	s7 =	simm.s32 $0x60;
	s13 =	simm.s32 $0x50;
	s5 =	simm.s32 $0x200;
	v2 =	vld [tilespmem:s12+$0x10880];
	[tilespmem:s30+$0x8100] =	vst v6  }
.LBB2_14:
0x14c: {  	p1 =	sne.s32 s7, $0x3F0;
	v5 =	vld [tilespmem:s12+$0x10830];
	s15 =	sadd.s32 $0x80, s15;
	[tilespmem:s26+$0xA100] =	vst v1  }
0x14d: {  	s8 =	sand.u32 $0x70, s13;
	s14 =	sand.u32 $0x1C00, s15;
	[tilespmem:s29+$0x8280] =	vst v3;
	v1 =	vld [tilespmem:s12+$0x108B0]  }
0x14e: {  	s8 =	sor.u32 s8, s14;
	v3 =	vld [tilespmem:s12+$0x10860];
	[tilespmem:s25+$0xA280] =	vst v0  }
0x14f: {  	[tilespmem:s8+$0x8000] =	vst v4;
	v0 =	vld [tilespmem:s12+$0x108E0]  }
0x150: {  	v4 =	vld [tilespmem:s12+$0x10810];
	[tilespmem:s28+$0xA000] =	vst v2  }
0x151: {  	[tilespmem:s30+$0x8180] =	vst v5;
	v2 =	vld [tilespmem:s12+$0x10890]  }
0x152: {  	v5 =	vld [tilespmem:s12+$0x10840];
	[tilespmem:s26+$0xA180] =	vst v1  }
0x153: {  	[tilespmem:s29+$0x8300] =	vst v3;
	v6 =	vld [tilespmem:s12+$0x108C0]  }
0x154: {  	v7 =	vld [tilespmem:s12+$0x10870];
	[tilespmem:s25+$0xA300] =	vst v0  }
0x155: {  	[tilespmem:s8+$0x8080] =	vst v4;
	v8 =	vld [tilespmem:s12+$0x108F0]  }
0x156: {  	v9 =	vld [tilespmem:s12+$0x10820];
	[tilespmem:s28+$0xA080] =	vst v2  }
.Ltmp10:
0x157: {  	s0 =	sor.u32 s31, s0;
	s31 =	smov.u32 s5;
	[tilespmem:s30+$0x8200] =	vst v5;
	v1 =	vld [tilespmem:s12+$0x108A0];
	(pc) =	sbr.rel @p1 .LBB2_14-.Ltmp10, $4  }
0x158: {  	s5 =	smov.u32 s15;
	s14 =	sor.u32 $0x380, s0;
	s0 =	smov.u32 s3;
	v3 =	vld [tilespmem:s12+$0x10850];
	[tilespmem:s26+$0xA200] =	vst v6  }
0x159: {  	s3 =	smov.u32 s13;
	s13 =	smov.u32 s7;
	[tilespmem:s14+$0x8000] =	vst v7;
	v0 =	vld [tilespmem:s12+$0x108D0]  }
0x15a: {  	v4 =	vld [tilespmem:s12+$0x10800];
	[tilespmem:s25+$0xA380] =	vst v8;
	s25 =	smov.u32 s26;
	s26 =	smov.u32 s28;
	s28 =	smov.u32 s29  }
0x15b: {  	s7 =	sadd.s32 $0x10, s7;
	s29 =	smov.u32 s30;
	s30 =	smov.u32 s8;
	[tilespmem:s8+$0x8100] =	vst v9;
	v2 =	vld [tilespmem:s12+$0x10880]  }
0x15c: {  	s7 =	sadd.s32 $0x80, s15  }
0x15d: {  	s8 =	sand.u32 $0x70, s13;
	s14 =	sand.u32 $0x1C00, s7  }
0x15e: {  	s15 =	sor.u32 s8, s14  }
0x15f: {  	[tilespmem:s15+$0x8000] =	vst v4  }
0x160: {  	v4 =	vld [tilespmem:s12+$0x10810];
	_ =	sdelay $0x4  }
0x161: {  	[tilespmem:s15+$0x8080] =	vst v4  }
0x162: {  	v4 =	vld [tilespmem:s12+$0x10820];
	_ =	sdelay $0x3  }
0x163: {  	v5 =	vld [tilespmem:s12+$0x10830]  }
0x164: {  	[tilespmem:s15+$0x8100] =	vst v4  }
0x165: {  	v4 =	vld [tilespmem:s12+$0x10830];
	_ =	sdelay $0x2  }
0x166: {  	[tilespmem:s30+$0x8180] =	vst v5  }
0x167: {  	v5 =	vld [tilespmem:s12+$0x10840]  }
0x168: {  	[tilespmem:s15+$0x8180] =	vst v4  }
0x169: {  	v4 =	vld [tilespmem:s12+$0x10840];
	_ =	sdelay $0x2  }
0x16a: {  	[tilespmem:s30+$0x8200] =	vst v5  }
0x16b: {  	v5 =	vld [tilespmem:s12+$0x10850]  }
0x16c: {  	[tilespmem:s15+$0x8200] =	vst v4  }
0x16d: {  	v4 =	vld [tilespmem:s12+$0x10850];
	_ =	sdelay $0x1  }
0x16e: {  	[tilespmem:s29+$0x8280] =	vst v3  }
0x16f: {  	v3 =	vld [tilespmem:s12+$0x10860];
	[tilespmem:s30+$0x8280] =	vst v5  }
0x170: {  	v5 =	vld [tilespmem:s12+$0x10860]  }
0x171: {  	[tilespmem:s15+$0x8280] =	vst v4  }
0x172: {  	v4 =	vld [tilespmem:s12+$0x10860];
	_ =	sdelay $0x1  }
0x173: {  	[tilespmem:s29+$0x8300] =	vst v3  }
0x174: {  	v3 =	vld [tilespmem:s12+$0x10870];
	[tilespmem:s30+$0x8300] =	vst v5  }
0x175: {  	v5 =	vld [tilespmem:s12+$0x10870]  }
0x176: {  	[tilespmem:s15+$0x8300] =	vst v4  }
0x177: {  	s0 =	sor.u32 s31, s0;
	v4 =	vld [tilespmem:s12+$0x10870]  }
0x178: {  	s3 =	sor.u32 s5, s3;
	s0 =	sor.u32 $0x380, s0  }
0x179: {  	s8 =	sor.u32 $0x380, s3;
	[tilespmem:s0+$0x8000] =	vst v3  }
0x17a: {  	s14 =	sor.u32 s7, s13;
	v3 =	vld [tilespmem:s12+$0x10880];
	[tilespmem:s8+$0x8000] =	vst v5  }
0x17b: {  	s31 =	sor.u32 $0x380, s14;
	v5 =	vld [tilespmem:s12+$0x10880]  }
0x17c: {  	[tilespmem:s31+$0x8000] =	vst v4  }
0x17d: {  	v4 =	vld [tilespmem:s12+$0x10880]  }
0x17e: {  	[tilespmem:s28+$0xA000] =	vst v2  }
0x17f: {  	v2 =	vld [tilespmem:s12+$0x10890];
	[tilespmem:s29+$0xA000] =	vst v3  }
0x180: {  	v3 =	vld [tilespmem:s12+$0x10890];
	[tilespmem:s30+$0xA000] =	vst v5  }
0x181: {  	v5 =	vld [tilespmem:s12+$0x10890]  }
0x182: {  	[tilespmem:s15+$0xA000] =	vst v4  }
0x183: {  	v4 =	vld [tilespmem:s12+$0x10890]  }
0x184: {  	[tilespmem:s28+$0xA080] =	vst v2  }
0x185: {  	v2 =	vld [tilespmem:s12+$0x108A0];
	[tilespmem:s29+$0xA080] =	vst v3  }
0x186: {  	v3 =	vld [tilespmem:s12+$0x108A0];
	[tilespmem:s30+$0xA080] =	vst v5  }
0x187: {  	v5 =	vld [tilespmem:s12+$0x108A0]  }
0x188: {  	[tilespmem:s15+$0xA080] =	vst v4  }
0x189: {  	[tilespmem:s26+$0xA100] =	vst v1;
	v4 =	vld [tilespmem:s12+$0x108A0]  }
0x18a: {  	v1 =	vld [tilespmem:s12+$0x108B0];
	[tilespmem:s28+$0xA100] =	vst v2  }
0x18b: {  	v2 =	vld [tilespmem:s12+$0x108B0];
	[tilespmem:s29+$0xA100] =	vst v3  }
0x18c: {  	v3 =	vld [tilespmem:s12+$0x108B0];
	[tilespmem:s30+$0xA100] =	vst v5  }
0x18d: {  	v5 =	vld [tilespmem:s12+$0x108B0]  }
0x18e: {  	[tilespmem:s15+$0xA100] =	vst v4  }
0x18f: {  	[tilespmem:s26+$0xA180] =	vst v1;
	v4 =	vld [tilespmem:s12+$0x108B0]  }
0x190: {  	v1 =	vld [tilespmem:s12+$0x108C0];
	[tilespmem:s28+$0xA180] =	vst v2  }
0x191: {  	v2 =	vld [tilespmem:s12+$0x108C0];
	[tilespmem:s29+$0xA180] =	vst v3  }
0x192: {  	v3 =	vld [tilespmem:s12+$0x108C0];
	[tilespmem:s30+$0xA180] =	vst v5  }
0x193: {  	v5 =	vld [tilespmem:s12+$0x108C0]  }
0x194: {  	[tilespmem:s15+$0xA180] =	vst v4  }
0x195: {  	[tilespmem:s26+$0xA200] =	vst v1;
	v4 =	vld [tilespmem:s12+$0x108C0]  }
0x196: {  	v1 =	vld [tilespmem:s12+$0x108D0];
	[tilespmem:s28+$0xA200] =	vst v2  }
0x197: {  	v2 =	vld [tilespmem:s12+$0x108D0];
	[tilespmem:s29+$0xA200] =	vst v3  }
0x198: {  	v3 =	vld [tilespmem:s12+$0x108D0];
	[tilespmem:s30+$0xA200] =	vst v5  }
0x199: {  	v5 =	vld [tilespmem:s12+$0x108D0]  }
0x19a: {  	[tilespmem:s15+$0xA200] =	vst v4  }
0x19b: {  	[tilespmem:s26+$0xA280] =	vst v1;
	v62 =	vld [tilespmem:s12+$0x108D0]  }
0x19c: {  	v1 =	vld [tilespmem:s12+$0x108E0];
	[tilespmem:s28+$0xA280] =	vst v2  }
0x19d: {  	v2 =	vld [tilespmem:s12+$0x108E0];
	[tilespmem:s29+$0xA280] =	vst v3  }
0x19e: {  	v3 =	vld [tilespmem:s12+$0x108E0];
	[tilespmem:s30+$0xA280] =	vst v5  }
0x19f: {  	[tilespmem:s25+$0xA280] =	vst v0;
	v5 =	vld [tilespmem:s12+$0x108E0]  }
0x1a0: {  	v63 =	vld [tilespmem:s12+$0x108E0];
	[tilespmem:s15+$0xA280] =	vst v62  }
0x1a1: {  	[tilespmem:s26+$0xA300] =	vst v1;
	v0 =	vld [tilespmem:s12+$0x108E0]  }
0x1a2: {  	v1 =	vld [tilespmem:s12+$0x108F0];
	[tilespmem:s28+$0xA300] =	vst v2  }
0x1a3: {  	v2 =	vld [tilespmem:s12+$0x108F0];
	[tilespmem:s29+$0xA300] =	vst v3  }
0x1a4: {  	v3 =	vld [tilespmem:s12+$0x108F0];
	[tilespmem:s30+$0xA300] =	vst v5  }
0x1a5: {  	[tilespmem:s25+$0xA300] =	vst v63;
	v5 =	vld [tilespmem:s12+$0x108F0]  }
0x1a6: {  	v4 =	vld [tilespmem:s12+$0x108F0];
	[tilespmem:s15+$0xA300] =	vst v0  }
0x1a7: {  	[tilespmem:s26+$0xA380] =	vst v1;
	v0 =	vld [tilespmem:s12+$0x108F0]  }
0x1a8: {  	[tilespmem:s28+$0xA380] =	vst v2  }
0x1a9: {  	[tilespmem:s29+$0xA380] =	vst v3  }
0x1aa: {  	[tilespmem:s30+$0xA380] =	vst v5  }
0x1ab: {  	[tilespmem:s25+$0xA380] =	vst v4  }
0x1ac: {  	[tilespmem:s15+$0xA380] =	vst v0  }
.Ltmp11:
0x1ad: {  	s0 =	rddreg [dreg:$0x8];
	(pc) =	sbr.rel .LBB2_16-.Ltmp11, $4  }
0x1ae: {  	[hbm4b:s0+s4] =	stream.linear.scatter [tilespmem:s19], [sflag:$0x5], $0x4000, $0x38;
	[tilespmem:$0x10C00] =	vst v63  }
0x1af: {  	_ =	swait.ge [sflag:s16], $0x4000  }
0x1b0: {  	[sflag:s16] =	ssyncset.done $0x0  }
0x1b1: {  	[sflag:s16] =	ssyncadd.s32 $0xFFFFC000  }
.LBB2_17:
0x1b2: {  	_ =	sfence.sel $0x180000  }
0x1b3: {  	[bflag:$0x0] =	sbarrier.arrive $0xFFFF  }
0x1b4: {  	_ =	strace $0x90000047  }
0x1b5: {  	s0 =	stileid.u32;
	[bflag:$0x2] =	sbarrier.arrive $0xFFFF  }
0x1b6: {  	p0 =	sne.s32 s0, $0x0;
	s0 =	rddreg [dreg:$0x4]  }
0x1b7: {  	s0 =	sadd.s32 @!p0 $0x100000, s0  }
0x1b8: {  	[sflag:s0] =	ssyncadd.tile.s32 @!p0 $0x1;
	_ =	shalt  }
.Lfunc_end2:
_tile_overlayer_lowered:
.L_overlay_start_2:
0x1b9: {  	(tag) =	ssettag $0x2  }
0x1ba: {  	s0 =	rddreg [dreg:$0x0];
	s2 =	stileid.u32  }
0x1bb: {  	s1 =	rddreg [dreg:$0x1];
	p0 =	sne.s32 s2, $0x0  }
0x1bc: {  	s3 =	rddreg [dreg:$0x2];
	[bflag:$0x3] =	sbarrier.arrive $0xFFFF;
	s2 =	simm.s32 @!p0 $0x1C05  }
0x1bd: {  	[timem:s3], [sflag:s2] =	dma.local @!p0 [hbm:s0], s1  }
0x1be: {  	s0 =	simm.s32 @!p0 $0x5  }
0x1bf: {  	_ =	swait.ge @!p0 [sflag:s0], s1  }
0x1c0: {  	s1 =	ssub.s32 @!p0 $0x0, s1;
	[sflag:s0] =	ssyncset.done @!p0 $0x0  }
0x1c1: {  	[sflag:s0] =	ssyncadd.s32 @!p0 s1  }
0x1c2: {  	[bflag:$0x3] =	sbarrier.arrive $0xFFFF  }
0x1c3: {  	_ =	shalt  }

</sc_bundles>
